<compile_context>
chip_gen: v7x
topology: tpu7x:2x2x1
jax: 0.10.2.dev20260603
libtpu: 0.0.44.dev20260713+nightly
codegen_flags: <defaults>
</compile_context>

<pallas_src>
import functools

import jax
import jax.numpy as jnp
from jax import lax
from jax.experimental import pallas as pl
from jax.experimental.pallas import tpu as pltpu
from jax.experimental.pallas import tpu_sc as plsc

B = 16384
GMF_D = 32
MLP_D = 128
_W = 128
_WG = 128
_PACK_C = 4096


def _pack_gmf(eu_gmf_t, ei_gmf_t):
    f = jnp.arange(2 * GMF_D)[:, None]
    c = jnp.arange(MLP_D)[None, :]
    p = (c == f).astype(jnp.bfloat16)
    both_t = jnp.concatenate([eu_gmf_t.astype(jnp.bfloat16),
                              ei_gmf_t.astype(jnp.bfloat16)], axis=0)
    dn = (((0,), (0,)), ((), ()))
    return lax.dot_general(both_t, p, dn, preferred_element_type=jnp.float32)


@functools.cache
def _sc_mlp_gather_fn():
    mesh = plsc.VectorSubcoreMesh(core_axis_name="core",
                                  subcore_axis_name="subcore")

    @functools.partial(
        pl.kernel,
        out_type=(
            jax.ShapeDtypeStruct((B, MLP_D), jnp.float32),
            jax.ShapeDtypeStruct((B, MLP_D), jnp.float32),
        ),
        mesh=mesh,
        scratch_types=[pltpu.SemaphoreType.DMA] * 2,
    )
    def _sc_mlp(uidx_hbm, iidx_hbm, eu_mlp_hbm, ei_mlp_hbm, mu_hbm, mi_hbm,
                s0, s1):
        idx_spec = pl.BlockSpec((1, _W), lambda i: (0, i))
        row_spec = pl.BlockSpec((_W, MLP_D), lambda i: (i, 0))

        def body(u_v, i_v, mu_v, mi_v):
            c0 = pltpu.make_async_copy(eu_mlp_hbm.at[u_v.at[0]], mu_v, s0)
            c1 = pltpu.make_async_copy(ei_mlp_hbm.at[i_v.at[0]], mi_v, s1)
            c0.start(); c1.start()
            c0.wait(); c1.wait()

        pltpu.emit_pipeline(
            body,
            grid=(B // _W,),
            in_specs=[idx_spec, idx_spec],
            out_specs=[row_spec, row_spec],
            core_axis_name=("core", "subcore"),
            dimension_semantics=(pltpu.PARALLEL,),
        )(uidx_hbm, iidx_hbm, mu_hbm, mi_hbm)

    return _sc_mlp


@functools.cache
def _sc_gmf_gather_fn():
    mesh = plsc.VectorSubcoreMesh(core_axis_name="core",
                                  subcore_axis_name="subcore")

    @functools.partial(
        pl.kernel,
        out_type=jax.ShapeDtypeStruct((B, GMF_D), jnp.float32),
        mesh=mesh,
        scratch_types=[
            pltpu.VMEM((_WG, MLP_D), jnp.float32),
            pltpu.VMEM((_WG, MLP_D), jnp.float32),
            pltpu.SemaphoreType.DMA,
            pltpu.SemaphoreType.DMA,
        ],
    )
    def _sc_gmf(uidx_hbm, iidx_hbm, pack_hbm, g_hbm, wu_v, wi_v, s0, s1):
        idx_spec = pl.BlockSpec((1, _WG), lambda i: (0, i))

        def body(u_v, i_v, g_v):
            c0 = pltpu.make_async_copy(pack_hbm.at[u_v.at[0]], wu_v, s0)
            c1 = pltpu.make_async_copy(pack_hbm.at[i_v.at[0]], wi_v, s1)
            c0.start(); c1.start()
            c0.wait(); c1.wait()

            @pl.loop(0, _WG)
            def _(k):
                g_v[k, pl.ds(0, 16)] = (
                    wu_v[k, pl.ds(0, 16)] * wi_v[k, pl.ds(GMF_D, 16)])
                g_v[k, pl.ds(16, 16)] = (
                    wu_v[k, pl.ds(16, 16)] * wi_v[k, pl.ds(GMF_D + 16, 16)])

        pltpu.emit_pipeline(
            body,
            grid=(B // _WG,),
            in_specs=[idx_spec, idx_spec],
            out_specs=[pl.BlockSpec((_WG, GMF_D), lambda i: (i, 0))],
            core_axis_name=("core", "subcore"),
            dimension_semantics=(pltpu.PARALLEL,),
        )(uidx_hbm, iidx_hbm, g_hbm)

    return _sc_gmf


_BLK = 4096


def _tc_mlp_body(mu, mi, w0u, w0i, b0, w1, b1, w2, b2, wpm, out):
    h = jnp.dot(mu[...].astype(jnp.bfloat16), w0u[...].astype(jnp.bfloat16),
                preferred_element_type=jnp.float32)
    h = h + jnp.dot(mi[...].astype(jnp.bfloat16),
                    w0i[...].astype(jnp.bfloat16),
                    preferred_element_type=jnp.float32)
    h = jnp.maximum(h + b0[...], 0.0).astype(jnp.bfloat16)
    h = jnp.maximum(
        jnp.dot(h, w1[...].astype(jnp.bfloat16),
                preferred_element_type=jnp.float32) + b1[...],
        0.0).astype(jnp.bfloat16)
    h = jnp.maximum(
        jnp.dot(h, w2[...].astype(jnp.bfloat16),
                preferred_element_type=jnp.float32) + b2[...], 0.0)
    pm = jnp.dot(h, wpm[...], preferred_element_type=jnp.float32)
    out[...] = pm[:, 0]


def _tc_mlp(mu, mi, w0u, w0i, b0, w1, b1, w2, b2, wpm):
    n_blk = B // _BLK
    batch_spec = lambda d: pl.BlockSpec((_BLK, d), lambda i: (i, 0))
    full = lambda a: pl.BlockSpec(a.shape, lambda i: (0,) * a.ndim)
    return pl.pallas_call(
        _tc_mlp_body,
        grid=(n_blk,),
        in_specs=[
            batch_spec(MLP_D), batch_spec(MLP_D),
            full(w0u), full(w0i), full(b0), full(w1), full(b1),
            full(w2), full(b2), full(wpm),
        ],
        out_specs=pl.BlockSpec((_BLK,), lambda i: (i,)),
        out_shape=jax.ShapeDtypeStruct((B,), jnp.float32),
    )(mu, mi, w0u, w0i, b0, w1, b1, w2, b2, wpm)


def _tc_final_body(g, pm, wpg, bp, out):
    pg = jnp.dot(g[...], wpg[...], preferred_element_type=jnp.float32)
    out[...] = pg[:, 0] + pm[...] + bp[0, 0]


def _tc_final(g, pm, wpg, bp):
    blk = 4096
    n_blk = B // blk
    full = lambda a: pl.BlockSpec(a.shape, lambda i: (0,) * a.ndim)
    return pl.pallas_call(
        _tc_final_body,
        grid=(n_blk,),
        in_specs=[
            pl.BlockSpec((blk, GMF_D), lambda i: (i, 0)),
            pl.BlockSpec((blk,), lambda i: (i,)),
            full(wpg), full(bp),
        ],
        out_specs=pl.BlockSpec((blk,), lambda i: (i,)),
        out_shape=jax.ShapeDtypeStruct((B,), jnp.float32),
    )(g, pm, wpg, bp)


def kernel(x, eu_gmf, ei_gmf, eu_mlp, ei_mlp, W0, b0, W1, b1, W2, b2, Wp, bp):
    uidx = x[:, 0].reshape(1, B)
    iidx = x[:, 1].reshape(1, B)
    mu, mi = _sc_mlp_gather_fn()(uidx, iidx, eu_mlp, ei_mlp)
    gmf_pack = _pack_gmf(eu_gmf.T, ei_gmf.T)
    uidx2, iidx2, _ = lax.optimization_barrier((uidx, iidx, mu))
    g = _sc_gmf_gather_fn()(uidx2, iidx2, gmf_pack)
    pm = _tc_mlp(
        mu, mi,
        W0[:, :MLP_D].T, W0[:, MLP_D:].T, b0.reshape(1, -1),
        W1.T, b1.reshape(1, -1), W2.T, b2.reshape(1, -1),
        Wp[:, GMF_D:].T,
    )
    return _tc_final(g, pm, Wp[:, :GMF_D].T, bp.reshape(1, 1))

# --- scband reference (transcript-rebuilt; emitter-appended) ---
"""Pipeline reference for scband-ncfmodel-45732811768229 (READ-ONLY COPY).

The authoritative reference and input builder live on the scoring server;
editing this copy changes nothing except your own understanding.
"""

import jax, jax.numpy as jnp
import numpy as np

USER_NUM = 100000
ITEM_NUM = 100000
FACTOR = 32
NUM_LAYERS = 3
MLP_DIM = FACTOR * 2 ** (NUM_LAYERS - 1)  # 128


def setup_inputs(seed: int = 0) -> dict:
    key = jax.random.key(seed)
    ks = jax.random.split(key, 16)
    x = jax.random.randint(ks[0], (16384, 2), 0, USER_NUM, dtype=jnp.int64) if jax.config.jax_enable_x64 else jax.random.randint(ks[0], (16384, 2), 0, USER_NUM).astype(jnp.int32)
    eu_gmf = jax.random.normal(ks[1], (USER_NUM, FACTOR), dtype=jnp.float32) * 0.01
    ei_gmf = jax.random.normal(ks[2], (ITEM_NUM, FACTOR), dtype=jnp.float32) * 0.01
    eu_mlp = jax.random.normal(ks[3], (USER_NUM, MLP_DIM), dtype=jnp.float32) * 0.01
    ei_mlp = jax.random.normal(ks[4], (ITEM_NUM, MLP_DIM), dtype=jnp.float32) * 0.01
    # MLP layers: input sizes factor*2^(L-i), i=0..L-1 -> 256->128, 128->64, 64->32
    def xavier(k, out_d, in_d):
        lim = np.sqrt(6.0 / (in_d + out_d))
        return jax.random.uniform(k, (out_d, in_d), dtype=jnp.float32, minval=-lim, maxval=lim)
    W0 = xavier(ks[5], 128, 256); b0 = jnp.zeros((128,), jnp.float32)
    W1 = xavier(ks[6], 64, 128); b1 = jnp.zeros((64,), jnp.float32)
    W2 = xavier(ks[7], 32, 64); b2 = jnp.zeros((32,), jnp.float32)
    Wp = xavier(ks[8], 1, 64); bp = jnp.zeros((1,), jnp.float32)
    return {"x": x, "eu_gmf": eu_gmf, "ei_gmf": ei_gmf, "eu_mlp": eu_mlp, "ei_mlp": ei_mlp,
            "W0": W0, "b0": b0, "W1": W1, "b1": b1, "W2": W2, "b2": b2, "Wp": Wp, "bp": bp}


def reference(x, eu_gmf, ei_gmf, eu_mlp, ei_mlp, W0, b0, W1, b1, W2, b2, Wp, bp):
    user = x[:, 0]
    item = x[:, 1]
    # GMF branch
    g = jnp.take(eu_gmf, user, axis=0) * jnp.take(ei_gmf, item, axis=0)
    # MLP branch (dropout p=0.0 -> identity)
    m = jnp.concatenate([jnp.take(eu_mlp, user, axis=0), jnp.take(ei_mlp, item, axis=0)], axis=-1)
    m = jax.nn.relu(m @ W0.T + b0)
    m = jax.nn.relu(m @ W1.T + b1)
    m = jax.nn.relu(m @ W2.T + b2)
    concat = jnp.concatenate([g, m], axis=-1)
    pred = concat @ Wp.T + bp
    return pred.reshape(-1)

if __name__ == "__main__":
    import jax
    _d = setup_inputs()
    print(jax.jit(kernel)(*tuple(_d.values())))

</pallas_src>

<mosaic_0001>
#map = affine_map<(d0, d1) -> (0, 0)>
module attributes {stable_mosaic.version = 14 : i64} {
  func.func @_sc_gmf(%arg0: i32, %arg1: i32, %arg2: memref<1x16384xi32, #tpu.memory_space<hbm>>, %arg3: memref<1x16384xi32, #tpu.memory_space<hbm>>, %arg4: memref<100000x128xf32, #tpu.memory_space<hbm>>, %arg5: memref<16384x32xf32, #tpu.memory_space<hbm>>, %arg6: memref<128x128xf32, #tpu.memory_space<vmem>>, %arg7: memref<128x128xf32, #tpu.memory_space<vmem>>, %arg8: memref<!tpu.dma_semaphore, #tpu.memory_space<semaphore_mem>>, %arg9: memref<!tpu.dma_semaphore, #tpu.memory_space<semaphore_mem>>) attributes {dimension_semantics = [#tpu.dimension_semantics<core_parallel>, #tpu.dimension_semantics<subcore_parallel>], iteration_bounds = array<i64: 2, 16>, scalar_prefetch = 0 : i64, scratch_operands = 4 : i64, tpu.core_type = #tpu.core_type<sc_vector_subcore>, window_params = [{transform_indices = #map}, {transform_indices = #map}, {transform_indices = #map}, {transform_indices = #map}]} {
    %mul3A = arith.constant 1 : i32
    %mul3A_0 = arith.muli %arg1, %mul3A : i32
    %add3A = arith.constant 0 : i32
    %add3A_1 = arith.addi %add3A, %mul3A_0 : i32
    %mul3A_2 = arith.constant 16 : i32
    %mul3A_3 = arith.muli %arg0, %mul3A_2 : i32
    %add3A_4 = arith.addi %add3A_1, %mul3A_3 : i32
    %mul3A_5 = arith.constant 4 : i32
    %mul3A_6 = arith.muli %add3A_4, %mul3A_5 : i32
    "tpu.region"() ({
      %run_scoped3A = memref.alloca() : memref<2x1x128xi32, #tpu.memory_space<vmem>>
      %run_scoped3A_7 = tpu.sem_alloc : memref<2x!tpu.dma_semaphore, #tpu.memory_space<semaphore_mem>>
      %run_scoped3A_8 = memref.alloca() : memref<2x1x128xi32, #tpu.memory_space<vmem>>
      %run_scoped3A_9 = tpu.sem_alloc : memref<2x!tpu.dma_semaphore, #tpu.memory_space<semaphore_mem>>
      %run_scoped3A_10 = memref.alloca() : memref<2x128x32xf32, #tpu.memory_space<vmem>>
      %run_scoped3A_11 = tpu.sem_alloc : memref<2x!tpu.dma_semaphore, #tpu.memory_space<semaphore_mem>>
      %add3A_12 = arith.constant 0 : i32
      %add3A_13 = arith.addi %add3A_12, %mul3A_6 : i32
      %select_n3A = arith.constant true
      %select_n3A_14 = arith.constant 0 : i32
      %select_n3A_15 = arith.constant -1 : i32
      %select_n3A_16 = arith.select %select_n3A, %select_n3A_15, %select_n3A_14 : i32
      %eq3A = arith.constant -1 : i32
      %eq3A_17 = arith.cmpi eq, %select_n3A_16, %eq3A : i32
      %select_n3A_18 = arith.constant 3 : i32
      %select_n3A_19 = arith.select %eq3A_17, %select_n3A_18, %select_n3A_16 : i32
      %add3A_20 = arith.addi %select_n3A_19, %mul3A_6 : i32
      %select_n3A_21 = arith.constant true
      %select_n3A_22 = arith.constant 0 : i32
      %select_n3A_23 = arith.constant 1 : i32
      %select_n3A_24 = arith.select %select_n3A_21, %select_n3A_23, %select_n3A_22 : i32
      %eq3A_25 = arith.constant 4 : i32
      %eq3A_26 = arith.cmpi eq, %select_n3A_24, %eq3A_25 : i32
      %select_n3A_27 = arith.constant 0 : i32
      %select_n3A_28 = arith.select %eq3A_26, %select_n3A_27, %select_n3A_24 : i32
      %add3A_29 = arith.addi %select_n3A_28, %mul3A_6 : i32
      %add3A_30 = arith.constant 1 : i32
      %add3A_31 = arith.addi %select_n3A_28, %add3A_30 : i32
      %select_n3A_32 = arith.constant true
      %select_n3A_33 = arith.select %select_n3A_32, %add3A_31, %select_n3A_28 : i32
      %eq3A_34 = arith.constant 4 : i32
      %eq3A_35 = arith.cmpi eq, %select_n3A_33, %eq3A_34 : i32
      %select_n3A_36 = arith.constant 0 : i32
      %select_n3A_37 = arith.select %eq3A_35, %select_n3A_36, %select_n3A_33 : i32
      %add3A_38 = arith.addi %select_n3A_37, %mul3A_6 : i32
      "tpu.trace_start"() <{level = 10 : i32, message = "ep_initialize_0"}> : () -> ()
      %rem3A = arith.constant 0 : i32
      %rem3A_39 = arith.constant 2 : i32
      %rem3A_40 = arith.remui %rem3A, %rem3A_39 : i32
      %mul3A_41 = arith.constant 128 : i32
      %mul3A_42 = arith.muli %mul3A_41, %add3A_13 : i32
      %dma_start3A = arith.constant 0 : i32
      %dma_start3A_43 = arith.constant 0 : i32
      %dma_start3A_44 = tpu.memref_slice %run_scoped3A[%rem3A_40, %dma_start3A, %dma_start3A_43] : memref<2x1x128xi32, #tpu.memory_space<vmem>> -> memref<1x1x128xi32, #tpu.memory_space<vmem>>
      %dma_start3A_45 = tpu.memref_squeeze %dma_start3A_44 : memref<1x1x128xi32, #tpu.memory_space<vmem>> -> memref<1x128xi32, #tpu.memory_space<vmem>>
      %dma_start3A_46 = arith.constant 0 : i32
      %dma_start3A_47 = tpu.memref_slice %arg2[%dma_start3A_46, %mul3A_42] : memref<1x16384xi32, #tpu.memory_space<hbm>> -> memref<1x128xi32, #tpu.memory_space<hbm>>
      %dma_start3A_48 = tpu.memref_slice %run_scoped3A_7[%rem3A_40] : memref<2x!tpu.dma_semaphore, #tpu.memory_space<semaphore_mem>> -> memref<1x!tpu.dma_semaphore, #tpu.memory_space<semaphore_mem>>
      %dma_start3A_49 = tpu.memref_squeeze %dma_start3A_48 : memref<1x!tpu.dma_semaphore, #tpu.memory_space<semaphore_mem>> -> memref<!tpu.dma_semaphore, #tpu.memory_space<semaphore_mem>>
      %dma_start3A_50 = arith.constant 0 : i32
      %dma_start3A_51 = arith.constant 0 : i32
      %dma_start3A_52 = tpu.memref_slice %run_scoped3A[%rem3A_40, %dma_start3A_50, %dma_start3A_51] : memref<2x1x128xi32, #tpu.memory_space<vmem>> -> memref<1x1x128xi32, #tpu.memory_space<vmem>>
      %dma_start3A_53 = tpu.memref_squeeze %dma_start3A_52 : memref<1x1x128xi32, #tpu.memory_space<vmem>> -> memref<1x128xi32, #tpu.memory_space<vmem>>
      %dma_start3A_54 = arith.constant 0 : i32
      %dma_start3A_55 = tpu.memref_slice %arg2[%dma_start3A_54, %mul3A_42] : memref<1x16384xi32, #tpu.memory_space<hbm>> -> memref<1x128xi32, #tpu.memory_space<hbm>>
      tpu.enqueue_dma source(%dma_start3A_55 : memref<1x128xi32, #tpu.memory_space<hbm>>) target(%dma_start3A_53 : memref<1x128xi32, #tpu.memory_space<vmem>>) target_semaphore(%dma_start3A_49 : memref<!tpu.dma_semaphore, #tpu.memory_space<semaphore_mem>>)
      %add3A_56 = arith.constant 0 : i32
      %add3A_57 = arith.constant 1 : i32
      %add3A_58 = arith.addi %add3A_56, %add3A_57 : i32
      %select_n3A_59 = arith.constant true
      %select_n3A_60 = arith.constant 0 : i32
      %select_n3A_61 = arith.select %select_n3A_59, %add3A_58, %select_n3A_60 : i32
      %rem3A_62 = arith.constant 0 : i32
      %rem3A_63 = arith.constant 2 : i32
      %rem3A_64 = arith.remui %rem3A_62, %rem3A_63 : i32
      %mul3A_65 = arith.constant 128 : i32
      %mul3A_66 = arith.muli %mul3A_65, %add3A_13 : i32
      %dma_start3A_67 = arith.constant 0 : i32
      %dma_start3A_68 = arith.constant 0 : i32
      %dma_start3A_69 = tpu.memref_slice %run_scoped3A_8[%rem3A_64, %dma_start3A_67, %dma_start3A_68] : memref<2x1x128xi32, #tpu.memory_space<vmem>> -> memref<1x1x128xi32, #tpu.memory_space<vmem>>
      %dma_start3A_70 = tpu.memref_squeeze %dma_start3A_69 : memref<1x1x128xi32, #tpu.memory_space<vmem>> -> memref<1x128xi32, #tpu.memory_space<vmem>>
      %dma_start3A_71 = arith.constant 0 : i32
      %dma_start3A_72 = tpu.memref_slice %arg3[%dma_start3A_71, %mul3A_66] : memref<1x16384xi32, #tpu.memory_space<hbm>> -> memref<1x128xi32, #tpu.memory_space<hbm>>
      %dma_start3A_73 = tpu.memref_slice %run_scoped3A_9[%rem3A_64] : memref<2x!tpu.dma_semaphore, #tpu.memory_space<semaphore_mem>> -> memref<1x!tpu.dma_semaphore, #tpu.memory_space<semaphore_mem>>
      %dma_start3A_74 = tpu.memref_squeeze %dma_start3A_73 : memref<1x!tpu.dma_semaphore, #tpu.memory_space<semaphore_mem>> -> memref<!tpu.dma_semaphore, #tpu.memory_space<semaphore_mem>>
      %dma_start3A_75 = arith.constant 0 : i32
      %dma_start3A_76 = arith.constant 0 : i32
      %dma_start3A_77 = tpu.memref_slice %run_scoped3A_8[%rem3A_64, %dma_start3A_75, %dma_start3A_76] : memref<2x1x128xi32, #tpu.memory_space<vmem>> -> memref<1x1x128xi32, #tpu.memory_space<vmem>>
      %dma_start3A_78 = tpu.memref_squeeze %dma_start3A_77 : memref<1x1x128xi32, #tpu.memory_space<vmem>> -> memref<1x128xi32, #tpu.memory_space<vmem>>
      %dma_start3A_79 = arith.constant 0 : i32
      %dma_start3A_80 = tpu.memref_slice %arg3[%dma_start3A_79, %mul3A_66] : memref<1x16384xi32, #tpu.memory_space<hbm>> -> memref<1x128xi32, #tpu.memory_space<hbm>>
      tpu.enqueue_dma source(%dma_start3A_80 : memref<1x128xi32, #tpu.memory_space<hbm>>) target(%dma_start3A_78 : memref<1x128xi32, #tpu.memory_space<vmem>>) target_semaphore(%dma_start3A_74 : memref<!tpu.dma_semaphore, #tpu.memory_space<semaphore_mem>>)
      %add3A_81 = arith.constant 0 : i32
      %add3A_82 = arith.constant 1 : i32
      %add3A_83 = arith.addi %add3A_81, %add3A_82 : i32
      %select_n3A_84 = arith.constant true
      %select_n3A_85 = arith.constant 0 : i32
      %select_n3A_86 = arith.select %select_n3A_84, %add3A_83, %select_n3A_85 : i32
      "tpu.trace_stop"() : () -> ()
      %scan3A = arith.constant 0 : i32
      %scan3A_87 = arith.constant 0 : i32
      %scan3A_88 = arith.constant 0 : i32
      %scan3A_89 = arith.constant 0 : i32
      %scan3A_90 = arith.constant 0 : i32
      %scan3A_91 = arith.constant 0 : i32
      %scan3A_92 = arith.constant 4 : i32
      %scan3A_93 = arith.addi %scan3A_91, %scan3A_92 : i32
      %scan3A_94 = arith.constant 1 : i32
      %scan3A_95:7 = scf.for %scan3A_149 = %scan3A_91 to %scan3A_93 step %scan3A_94 iter_args(%scan3A_150 = %select_n3A_61, %scan3A_151 = %scan3A, %scan3A_152 = %select_n3A_86, %scan3A_153 = %scan3A_87, %scan3A_154 = %scan3A_88, %scan3A_155 = %scan3A_89, %scan3A_156 = %scan3A_90) -> (i32, i32, i32, i32, i32, i32, i32)  : i32 {
        %eq3A_157 = arith.constant 0 : i32
        %eq3A_158 = arith.cmpi eq, %scan3A_149, %eq3A_157 : i32
        %eq3A_159 = arith.constant 3 : i32
        %eq3A_160 = arith.cmpi eq, %scan3A_149, %eq3A_159 : i32
        %add3A_161 = arith.addi %scan3A_156, %mul3A_6 : i32
        %sub3A_162 = arith.constant 1 : i32
        %sub3A_163 = arith.subi %scan3A_156, %sub3A_162 : i32
        %select_n3A_164 = arith.constant true
        %select_n3A_165 = arith.select %select_n3A_164, %sub3A_163, %scan3A_156 : i32
        %eq3A_166 = arith.constant -1 : i32
        %eq3A_167 = arith.cmpi eq, %select_n3A_165, %eq3A_166 : i32
        %select_n3A_168 = arith.constant 3 : i32
        %select_n3A_169 = arith.select %eq3A_167, %select_n3A_168, %select_n3A_165 : i32
        %add3A_170 = arith.addi %select_n3A_169, %mul3A_6 : i32
        %add3A_171 = arith.constant 1 : i32
        %add3A_172 = arith.addi %scan3A_156, %add3A_171 : i32
        %select_n3A_173 = arith.constant true
        %select_n3A_174 = arith.select %select_n3A_173, %add3A_172, %scan3A_156 : i32
        %eq3A_175 = arith.constant 4 : i32
        %eq3A_176 = arith.cmpi eq, %select_n3A_174, %eq3A_175 : i32
        %select_n3A_177 = arith.constant 0 : i32
        %select_n3A_178 = arith.select %eq3A_176, %select_n3A_177, %select_n3A_174 : i32
        %add3A_179 = arith.addi %select_n3A_178, %mul3A_6 : i32
        %add3A_180 = arith.constant 1 : i32
        %add3A_181 = arith.addi %select_n3A_178, %add3A_180 : i32
        %select_n3A_182 = arith.constant true
        %select_n3A_183 = arith.select %select_n3A_182, %add3A_181, %select_n3A_178 : i32
        %eq3A_184 = arith.constant 4 : i32
        %eq3A_185 = arith.cmpi eq, %select_n3A_183, %eq3A_184 : i32
        %select_n3A_186 = arith.constant 0 : i32
        %select_n3A_187 = arith.select %eq3A_185, %select_n3A_186, %select_n3A_183 : i32
        %add3A_188 = arith.addi %select_n3A_187, %mul3A_6 : i32
        %ne3A = arith.cmpi ne, %add3A_161, %add3A_179 : i32
        %or3A = arith.constant false
        %or3A_189 = arith.ori %or3A, %ne3A : i1
        %ge3A = arith.constant 3 : i32
        %ge3A_190 = arith.cmpi sge, %scan3A_149, %ge3A : i32
        %not3A = arith.constant true
        %not3A_191 = arith.xori %ge3A_190, %not3A : i1
        %and3A = arith.andi %or3A_189, %not3A_191 : i1
        %convert_element_type3A = arith.extui %and3A : i1 to i32
        %cond3A = arith.constant 0 : i32
        %cond3A_192 = arith.cmpi ne, %convert_element_type3A, %cond3A : i32
        scf.if %cond3A_192 {
          "tpu.trace_start"() <{level = 10 : i32, message = "ep_copy_in"}> : () -> ()
          %rem3A_394 = arith.constant 2 : i32
          %rem3A_395 = arith.remui %scan3A_150, %rem3A_394 : i32
          %mul3A_396 = arith.constant 128 : i32
          %mul3A_397 = arith.muli %mul3A_396, %add3A_179 : i32
          %dma_start3A_398 = arith.constant 0 : i32
          %dma_start3A_399 = arith.constant 0 : i32
          %dma_start3A_400 = tpu.memref_slice %run_scoped3A[%rem3A_395, %dma_start3A_398, %dma_start3A_399] : memref<2x1x128xi32, #tpu.memory_space<vmem>> -> memref<1x1x128xi32, #tpu.memory_space<vmem>>
          %dma_start3A_401 = tpu.memref_squeeze %dma_start3A_400 : memref<1x1x128xi32, #tpu.memory_space<vmem>> -> memref<1x128xi32, #tpu.memory_space<vmem>>
          %dma_start3A_402 = arith.constant 0 : i32
          %dma_start3A_403 = tpu.memref_slice %arg2[%dma_start3A_402, %mul3A_397] : memref<1x16384xi32, #tpu.memory_space<hbm>> -> memref<1x128xi32, #tpu.memory_space<hbm>>
          %dma_start3A_404 = tpu.memref_slice %run_scoped3A_7[%rem3A_395] : memref<2x!tpu.dma_semaphore, #tpu.memory_space<semaphore_mem>> -> memref<1x!tpu.dma_semaphore, #tpu.memory_space<semaphore_mem>>
          %dma_start3A_405 = tpu.memref_squeeze %dma_start3A_404 : memref<1x!tpu.dma_semaphore, #tpu.memory_space<semaphore_mem>> -> memref<!tpu.dma_semaphore, #tpu.memory_space<semaphore_mem>>
          %dma_start3A_406 = arith.constant 0 : i32
          %dma_start3A_407 = arith.constant 0 : i32
          %dma_start3A_408 = tpu.memref_slice %run_scoped3A[%rem3A_395, %dma_start3A_406, %dma_start3A_407] : memref<2x1x128xi32, #tpu.memory_space<vmem>> -> memref<1x1x128xi32, #tpu.memory_space<vmem>>
          %dma_start3A_409 = tpu.memref_squeeze %dma_start3A_408 : memref<1x1x128xi32, #tpu.memory_space<vmem>> -> memref<1x128xi32, #tpu.memory_space<vmem>>
          %dma_start3A_410 = arith.constant 0 : i32
          %dma_start3A_411 = tpu.memref_slice %arg2[%dma_start3A_410, %mul3A_397] : memref<1x16384xi32, #tpu.memory_space<hbm>> -> memref<1x128xi32, #tpu.memory_space<hbm>>
          tpu.enqueue_dma source(%dma_start3A_411 : memref<1x128xi32, #tpu.memory_space<hbm>>) target(%dma_start3A_409 : memref<1x128xi32, #tpu.memory_space<vmem>>) target_semaphore(%dma_start3A_405 : memref<!tpu.dma_semaphore, #tpu.memory_space<semaphore_mem>>)
          "tpu.trace_stop"() : () -> ()
        } else {
        }
        %and3A_193 = arith.constant true
        %and3A_194 = arith.andi %and3A, %and3A_193 : i1
        %add3A_195 = arith.constant 1 : i32
        %add3A_196 = arith.addi %scan3A_150, %add3A_195 : i32
        %select_n3A_197 = arith.select %and3A_194, %add3A_196, %scan3A_150 : i32
        %ne3A_198 = arith.cmpi ne, %add3A_161, %add3A_179 : i32
        %or3A_199 = arith.constant false
        %or3A_200 = arith.ori %or3A_199, %ne3A_198 : i1
        %ge3A_201 = arith.constant 3 : i32
        %ge3A_202 = arith.cmpi sge, %scan3A_149, %ge3A_201 : i32
        %not3A_203 = arith.constant true
        %not3A_204 = arith.xori %ge3A_202, %not3A_203 : i1
        %and3A_205 = arith.andi %or3A_200, %not3A_204 : i1
        %convert_element_type3A_206 = arith.extui %and3A_205 : i1 to i32
        %cond3A_207 = arith.constant 0 : i32
        %cond3A_208 = arith.cmpi ne, %convert_element_type3A_206, %cond3A_207 : i32
        scf.if %cond3A_208 {
          "tpu.trace_start"() <{level = 10 : i32, message = "ep_copy_in"}> : () -> ()
          %rem3A_394 = arith.constant 2 : i32
          %rem3A_395 = arith.remui %scan3A_152, %rem3A_394 : i32
          %mul3A_396 = arith.constant 128 : i32
          %mul3A_397 = arith.muli %mul3A_396, %add3A_179 : i32
          %dma_start3A_398 = arith.constant 0 : i32
          %dma_start3A_399 = arith.constant 0 : i32
          %dma_start3A_400 = tpu.memref_slice %run_scoped3A_8[%rem3A_395, %dma_start3A_398, %dma_start3A_399] : memref<2x1x128xi32, #tpu.memory_space<vmem>> -> memref<1x1x128xi32, #tpu.memory_space<vmem>>
          %dma_start3A_401 = tpu.memref_squeeze %dma_start3A_400 : memref<1x1x128xi32, #tpu.memory_space<vmem>> -> memref<1x128xi32, #tpu.memory_space<vmem>>
          %dma_start3A_402 = arith.constant 0 : i32
          %dma_start3A_403 = tpu.memref_slice %arg3[%dma_start3A_402, %mul3A_397] : memref<1x16384xi32, #tpu.memory_space<hbm>> -> memref<1x128xi32, #tpu.memory_space<hbm>>
          %dma_start3A_404 = tpu.memref_slice %run_scoped3A_9[%rem3A_395] : memref<2x!tpu.dma_semaphore, #tpu.memory_space<semaphore_mem>> -> memref<1x!tpu.dma_semaphore, #tpu.memory_space<semaphore_mem>>
          %dma_start3A_405 = tpu.memref_squeeze %dma_start3A_404 : memref<1x!tpu.dma_semaphore, #tpu.memory_space<semaphore_mem>> -> memref<!tpu.dma_semaphore, #tpu.memory_space<semaphore_mem>>
          %dma_start3A_406 = arith.constant 0 : i32
          %dma_start3A_407 = arith.constant 0 : i32
          %dma_start3A_408 = tpu.memref_slice %run_scoped3A_8[%rem3A_395, %dma_start3A_406, %dma_start3A_407] : memref<2x1x128xi32, #tpu.memory_space<vmem>> -> memref<1x1x128xi32, #tpu.memory_space<vmem>>
          %dma_start3A_409 = tpu.memref_squeeze %dma_start3A_408 : memref<1x1x128xi32, #tpu.memory_space<vmem>> -> memref<1x128xi32, #tpu.memory_space<vmem>>
          %dma_start3A_410 = arith.constant 0 : i32
          %dma_start3A_411 = tpu.memref_slice %arg3[%dma_start3A_410, %mul3A_397] : memref<1x16384xi32, #tpu.memory_space<hbm>> -> memref<1x128xi32, #tpu.memory_space<hbm>>
          tpu.enqueue_dma source(%dma_start3A_411 : memref<1x128xi32, #tpu.memory_space<hbm>>) target(%dma_start3A_409 : memref<1x128xi32, #tpu.memory_space<vmem>>) target_semaphore(%dma_start3A_405 : memref<!tpu.dma_semaphore, #tpu.memory_space<semaphore_mem>>)
          "tpu.trace_stop"() : () -> ()
        } else {
        }
        %and3A_209 = arith.constant true
        %and3A_210 = arith.andi %and3A_205, %and3A_209 : i1
        %add3A_211 = arith.constant 1 : i32
        %add3A_212 = arith.addi %scan3A_152, %add3A_211 : i32
        %select_n3A_213 = arith.select %and3A_210, %add3A_212, %scan3A_152 : i32
        %ne3A_214 = arith.cmpi ne, %add3A_161, %add3A_179 : i32
        %or3A_215 = arith.constant false
        %or3A_216 = arith.ori %or3A_215, %ne3A_214 : i1
        %or3A_217 = arith.constant false
        %or3A_218 = arith.ori %or3A_216, %or3A_217 : i1
        %ge3A_219 = arith.constant 3 : i32
        %ge3A_220 = arith.cmpi sge, %scan3A_149, %ge3A_219 : i32
        %not3A_221 = arith.constant true
        %not3A_222 = arith.xori %ge3A_220, %not3A_221 : i1
        %and3A_223 = arith.andi %or3A_218, %not3A_222 : i1
        %ne3A_224 = arith.cmpi ne, %add3A_161, %add3A_170 : i32
        %or3A_225 = arith.constant false
        %or3A_226 = arith.ori %or3A_225, %ne3A_224 : i1
        %or3A_227 = arith.ori %or3A_226, %eq3A_158 : i1
        %convert_element_type3A_228 = arith.extui %or3A_227 : i1 to i32
        %cond3A_229 = arith.constant 0 : i32
        %cond3A_230 = arith.cmpi ne, %convert_element_type3A_228, %cond3A_229 : i32
        scf.if %cond3A_230 {
          "tpu.trace_start"() <{level = 10 : i32, message = "ep_wait_in"}> : () -> ()
          %mul3A_394 = arith.constant 128 : i32
          %mul3A_395 = arith.muli %mul3A_394, %add3A_161 : i32
          %rem3A_396 = arith.constant 2 : i32
          %rem3A_397 = arith.remui %scan3A_151, %rem3A_396 : i32
          %dma_wait3A_398 = arith.constant 0 : i32
          %dma_wait3A_399 = arith.constant 0 : i32
          %dma_wait3A_400 = tpu.memref_slice %run_scoped3A[%rem3A_397, %dma_wait3A_398, %dma_wait3A_399] : memref<2x1x128xi32, #tpu.memory_space<vmem>> -> memref<1x1x128xi32, #tpu.memory_space<vmem>>
          %dma_wait3A_401 = tpu.memref_squeeze %dma_wait3A_400 : memref<1x1x128xi32, #tpu.memory_space<vmem>> -> memref<1x128xi32, #tpu.memory_space<vmem>>
          %dma_wait3A_402 = arith.constant 0 : i32
          %dma_wait3A_403 = tpu.memref_slice %arg2[%dma_wait3A_402, %mul3A_395] : memref<1x16384xi32, #tpu.memory_space<hbm>> -> memref<1x128xi32, #tpu.memory_space<hbm>>
          %dma_wait3A_404 = tpu.memref_slice %run_scoped3A_7[%rem3A_397] : memref<2x!tpu.dma_semaphore, #tpu.memory_space<semaphore_mem>> -> memref<1x!tpu.dma_semaphore, #tpu.memory_space<semaphore_mem>>
          %dma_wait3A_405 = tpu.memref_squeeze %dma_wait3A_404 : memref<1x!tpu.dma_semaphore, #tpu.memory_space<semaphore_mem>> -> memref<!tpu.dma_semaphore, #tpu.memory_space<semaphore_mem>>
          %dma_wait3A_406 = arith.constant 0 : i32
          %dma_wait3A_407 = arith.constant 0 : i32
          %dma_wait3A_408 = tpu.memref_slice %run_scoped3A[%rem3A_397, %dma_wait3A_406, %dma_wait3A_407] : memref<2x1x128xi32, #tpu.memory_space<vmem>> -> memref<1x1x128xi32, #tpu.memory_space<vmem>>
          %dma_wait3A_409 = tpu.memref_squeeze %dma_wait3A_408 : memref<1x1x128xi32, #tpu.memory_space<vmem>> -> memref<1x128xi32, #tpu.memory_space<vmem>>
          %dma_wait3A_410 = arith.constant 0 : i32
          %dma_wait3A_411 = tpu.memref_slice %arg2[%dma_wait3A_410, %mul3A_395] : memref<1x16384xi32, #tpu.memory_space<hbm>> -> memref<1x128xi32, #tpu.memory_space<hbm>>
          tpu.wait_dma2 semaphore(%dma_wait3A_405 : memref<!tpu.dma_semaphore, #tpu.memory_space<semaphore_mem>>) src(%dma_wait3A_411 : memref<1x128xi32, #tpu.memory_space<hbm>>) dst(%dma_wait3A_409 : memref<1x128xi32, #tpu.memory_space<vmem>>)
          "tpu.trace_stop"() : () -> ()
        } else {
        }
        %ne3A_231 = arith.cmpi ne, %add3A_161, %add3A_170 : i32
        %or3A_232 = arith.constant false
        %or3A_233 = arith.ori %or3A_232, %ne3A_231 : i1
        %or3A_234 = arith.ori %or3A_233, %eq3A_158 : i1
        %convert_element_type3A_235 = arith.extui %or3A_234 : i1 to i32
        %cond3A_236 = arith.constant 0 : i32
        %cond3A_237 = arith.cmpi ne, %convert_element_type3A_235, %cond3A_236 : i32
        scf.if %cond3A_237 {
          "tpu.trace_start"() <{level = 10 : i32, message = "ep_wait_in"}> : () -> ()
          %mul3A_394 = arith.constant 128 : i32
          %mul3A_395 = arith.muli %mul3A_394, %add3A_161 : i32
          %rem3A_396 = arith.constant 2 : i32
          %rem3A_397 = arith.remui %scan3A_153, %rem3A_396 : i32
          %dma_wait3A_398 = arith.constant 0 : i32
          %dma_wait3A_399 = arith.constant 0 : i32
          %dma_wait3A_400 = tpu.memref_slice %run_scoped3A_8[%rem3A_397, %dma_wait3A_398, %dma_wait3A_399] : memref<2x1x128xi32, #tpu.memory_space<vmem>> -> memref<1x1x128xi32, #tpu.memory_space<vmem>>
          %dma_wait3A_401 = tpu.memref_squeeze %dma_wait3A_400 : memref<1x1x128xi32, #tpu.memory_space<vmem>> -> memref<1x128xi32, #tpu.memory_space<vmem>>
          %dma_wait3A_402 = arith.constant 0 : i32
          %dma_wait3A_403 = tpu.memref_slice %arg3[%dma_wait3A_402, %mul3A_395] : memref<1x16384xi32, #tpu.memory_space<hbm>> -> memref<1x128xi32, #tpu.memory_space<hbm>>
          %dma_wait3A_404 = tpu.memref_slice %run_scoped3A_9[%rem3A_397] : memref<2x!tpu.dma_semaphore, #tpu.memory_space<semaphore_mem>> -> memref<1x!tpu.dma_semaphore, #tpu.memory_space<semaphore_mem>>
          %dma_wait3A_405 = tpu.memref_squeeze %dma_wait3A_404 : memref<1x!tpu.dma_semaphore, #tpu.memory_space<semaphore_mem>> -> memref<!tpu.dma_semaphore, #tpu.memory_space<semaphore_mem>>
          %dma_wait3A_406 = arith.constant 0 : i32
          %dma_wait3A_407 = arith.constant 0 : i32
          %dma_wait3A_408 = tpu.memref_slice %run_scoped3A_8[%rem3A_397, %dma_wait3A_406, %dma_wait3A_407] : memref<2x1x128xi32, #tpu.memory_space<vmem>> -> memref<1x1x128xi32, #tpu.memory_space<vmem>>
          %dma_wait3A_409 = tpu.memref_squeeze %dma_wait3A_408 : memref<1x1x128xi32, #tpu.memory_space<vmem>> -> memref<1x128xi32, #tpu.memory_space<vmem>>
          %dma_wait3A_410 = arith.constant 0 : i32
          %dma_wait3A_411 = tpu.memref_slice %arg3[%dma_wait3A_410, %mul3A_395] : memref<1x16384xi32, #tpu.memory_space<hbm>> -> memref<1x128xi32, #tpu.memory_space<hbm>>
          tpu.wait_dma2 semaphore(%dma_wait3A_405 : memref<!tpu.dma_semaphore, #tpu.memory_space<semaphore_mem>>) src(%dma_wait3A_411 : memref<1x128xi32, #tpu.memory_space<hbm>>) dst(%dma_wait3A_409 : memref<1x128xi32, #tpu.memory_space<vmem>>)
          "tpu.trace_stop"() : () -> ()
        } else {
        }
        %ne3A_238 = arith.cmpi ne, %add3A_161, %add3A_170 : i32
        %or3A_239 = arith.constant false
        %or3A_240 = arith.ori %or3A_239, %ne3A_238 : i1
        %or3A_241 = arith.constant false
        %or3A_242 = arith.ori %or3A_240, %or3A_241 : i1
        %or3A_243 = arith.ori %or3A_242, %eq3A_158 : i1
        %convert_element_type3A_244 = arith.extui %or3A_243 : i1 to i32
        %cond3A_245 = arith.constant 0 : i32
        %cond3A_246 = arith.cmpi ne, %convert_element_type3A_244, %cond3A_245 : i32
        scf.if %cond3A_246 {
        } else {
        }
        %rem3A_247 = arith.constant 2 : i32
        %rem3A_248 = arith.remui %scan3A_151, %rem3A_247 : i32
        %rem3A_249 = arith.constant 2 : i32
        %rem3A_250 = arith.remui %scan3A_153, %rem3A_249 : i32
        %rem3A_251 = arith.constant 2 : i32
        %rem3A_252 = arith.remui %scan3A_154, %rem3A_251 : i32
        %dma_start3A_253 = arith.constant 0 : i32
        "tpu.trace_start"() <{level = 10 : i32, message = "ep_run_kernel"}> : () -> ()
        %dma_start3A_254 = arith.constant 0 : i32
        %dma_start3A_255 = arith.constant 0 : i32
        %dma_start3A_256 = tpu.memref_slice %run_scoped3A[%rem3A_248, %dma_start3A_254, %dma_start3A_255] : memref<2x1x128xi32, #tpu.memory_space<vmem>> -> memref<1x1x128xi32, #tpu.memory_space<vmem>>
        %dma_start3A_257 = tpu.memref_squeeze %dma_start3A_256 : memref<1x1x128xi32, #tpu.memory_space<vmem>> -> memref<1x128xi32, #tpu.memory_space<vmem>>
        %dma_start3A_258 = arith.constant 0 : i32
        %dma_start3A_259 = tpu.memref_slice %dma_start3A_257[%dma_start3A_253, %dma_start3A_258] : memref<1x128xi32, #tpu.memory_space<vmem>> -> memref<1x128xi32, #tpu.memory_space<vmem>>
        %dma_start3A_260 = tpu.memref_squeeze %dma_start3A_259 : memref<1x128xi32, #tpu.memory_space<vmem>> -> memref<128xi32, #tpu.memory_space<vmem>>
        %dma_start3A_261 = arith.constant 0 : i32
        %dma_start3A_262 = arith.constant 0 : i32
        %dma_start3A_263 = tpu.memref_slice %arg4[%dma_start3A_261, %dma_start3A_262] : memref<100000x128xf32, #tpu.memory_space<hbm>> -> memref<100000x128xf32, #tpu.memory_space<hbm>>
        tpu.enqueue_indirect_dma source(%dma_start3A_263 : memref<100000x128xf32, #tpu.memory_space<hbm>>) target(%arg6 : memref<128x128xf32, #tpu.memory_space<vmem>>) offsets(%dma_start3A_260 : memref<128xi32, #tpu.memory_space<vmem>>) semaphore(%arg8 : memref<!tpu.dma_semaphore, #tpu.memory_space<semaphore_mem>>)
        %dma_start3A_264 = arith.constant 0 : i32
        %dma_start3A_265 = arith.constant 0 : i32
        %dma_start3A_266 = arith.constant 0 : i32
        %dma_start3A_267 = tpu.memref_slice %run_scoped3A_8[%rem3A_250, %dma_start3A_265, %dma_start3A_266] : memref<2x1x128xi32, #tpu.memory_space<vmem>> -> memref<1x1x128xi32, #tpu.memory_space<vmem>>
        %dma_start3A_268 = tpu.memref_squeeze %dma_start3A_267 : memref<1x1x128xi32, #tpu.memory_space<vmem>> -> memref<1x128xi32, #tpu.memory_space<vmem>>
        %dma_start3A_269 = arith.constant 0 : i32
        %dma_start3A_270 = tpu.memref_slice %dma_start3A_268[%dma_start3A_264, %dma_start3A_269] : memref<1x128xi32, #tpu.memory_space<vmem>> -> memref<1x128xi32, #tpu.memory_space<vmem>>
        %dma_start3A_271 = tpu.memref_squeeze %dma_start3A_270 : memref<1x128xi32, #tpu.memory_space<vmem>> -> memref<128xi32, #tpu.memory_space<vmem>>
        %dma_start3A_272 = arith.constant 0 : i32
        %dma_start3A_273 = arith.constant 0 : i32
        %dma_start3A_274 = tpu.memref_slice %arg4[%dma_start3A_272, %dma_start3A_273] : memref<100000x128xf32, #tpu.memory_space<hbm>> -> memref<100000x128xf32, #tpu.memory_space<hbm>>
        tpu.enqueue_indirect_dma source(%dma_start3A_274 : memref<100000x128xf32, #tpu.memory_space<hbm>>) target(%arg7 : memref<128x128xf32, #tpu.memory_space<vmem>>) offsets(%dma_start3A_271 : memref<128xi32, #tpu.memory_space<vmem>>) semaphore(%arg9 : memref<!tpu.dma_semaphore, #tpu.memory_space<semaphore_mem>>)
        %dma_wait3A_275 = arith.constant 0 : i32
        %dma_wait3A_276 = arith.constant 0 : i32
        %dma_wait3A_277 = arith.constant 0 : i32
        %dma_wait3A_278 = tpu.memref_slice %run_scoped3A[%rem3A_248, %dma_wait3A_276, %dma_wait3A_277] : memref<2x1x128xi32, #tpu.memory_space<vmem>> -> memref<1x1x128xi32, #tpu.memory_space<vmem>>
        %dma_wait3A_279 = tpu.memref_squeeze %dma_wait3A_278 : memref<1x1x128xi32, #tpu.memory_space<vmem>> -> memref<1x128xi32, #tpu.memory_space<vmem>>
        %dma_wait3A_280 = arith.constant 0 : i32
        %dma_wait3A_281 = tpu.memref_slice %dma_wait3A_279[%dma_wait3A_275, %dma_wait3A_280] : memref<1x128xi32, #tpu.memory_space<vmem>> -> memref<1x128xi32, #tpu.memory_space<vmem>>
        %dma_wait3A_282 = tpu.memref_squeeze %dma_wait3A_281 : memref<1x128xi32, #tpu.memory_space<vmem>> -> memref<128xi32, #tpu.memory_space<vmem>>
        %dma_wait3A_283 = arith.constant 0 : i32
        %dma_wait3A_284 = arith.constant 0 : i32
        %dma_wait3A_285 = tpu.memref_slice %arg4[%dma_wait3A_283, %dma_wait3A_284] : memref<100000x128xf32, #tpu.memory_space<hbm>> -> memref<100000x128xf32, #tpu.memory_space<hbm>>
        tpu.wait_indirect_dma semaphore(%arg8 : memref<!tpu.dma_semaphore, #tpu.memory_space<semaphore_mem>>) src(%dma_wait3A_285 : memref<100000x128xf32, #tpu.memory_space<hbm>>) dst(%arg6 : memref<128x128xf32, #tpu.memory_space<vmem>>)
        %dma_wait3A_286 = arith.constant 0 : i32
        %dma_wait3A_287 = arith.constant 0 : i32
        %dma_wait3A_288 = arith.constant 0 : i32
        %dma_wait3A_289 = tpu.memref_slice %run_scoped3A_8[%rem3A_250, %dma_wait3A_287, %dma_wait3A_288] : memref<2x1x128xi32, #tpu.memory_space<vmem>> -> memref<1x1x128xi32, #tpu.memory_space<vmem>>
        %dma_wait3A_290 = tpu.memref_squeeze %dma_wait3A_289 : memref<1x1x128xi32, #tpu.memory_space<vmem>> -> memref<1x128xi32, #tpu.memory_space<vmem>>
        %dma_wait3A_291 = arith.constant 0 : i32
        %dma_wait3A_292 = tpu.memref_slice %dma_wait3A_290[%dma_wait3A_286, %dma_wait3A_291] : memref<1x128xi32, #tpu.memory_space<vmem>> -> memref<1x128xi32, #tpu.memory_space<vmem>>
        %dma_wait3A_293 = tpu.memref_squeeze %dma_wait3A_292 : memref<1x128xi32, #tpu.memory_space<vmem>> -> memref<128xi32, #tpu.memory_space<vmem>>
        %dma_wait3A_294 = arith.constant 0 : i32
        %dma_wait3A_295 = arith.constant 0 : i32
        %dma_wait3A_296 = tpu.memref_slice %arg4[%dma_wait3A_294, %dma_wait3A_295] : memref<100000x128xf32, #tpu.memory_space<hbm>> -> memref<100000x128xf32, #tpu.memory_space<hbm>>
        tpu.wait_indirect_dma semaphore(%arg9 : memref<!tpu.dma_semaphore, #tpu.memory_space<semaphore_mem>>) src(%dma_wait3A_296 : memref<100000x128xf32, #tpu.memory_space<hbm>>) dst(%arg7 : memref<128x128xf32, #tpu.memory_space<vmem>>)
        %scan3A_297 = arith.constant 0 : i32
        %scan3A_298 = arith.constant 128 : i32
        %scan3A_299 = arith.addi %scan3A_297, %scan3A_298 : i32
        %scan3A_300 = arith.constant 1 : i32
        scf.for %scan3A_394 = %scan3A_297 to %scan3A_299 step %scan3A_300  : i32 {
          %mul3A_395 = arith.constant 1 : i32
          %mul3A_396 = arith.muli %scan3A_394, %mul3A_395 : i32
          %add3A_397 = arith.constant 0 : i32
          %add3A_398 = arith.addi %add3A_397, %mul3A_396 : i32
          %get3A = arith.index_cast %add3A_398 : i32 to index
          %get3A_399 = arith.constant 0 : index
          %get3A_400 = tpu.vector_load %arg6[%get3A, %get3A_399] {strides = array<i32>} : memref<128x128xf32, #tpu.memory_space<vmem>>, vector<1x16xf32>,
          %get3A_401 = vector.shape_cast %get3A_400 : vector<1x16xf32> to vector<16xf32>
          %get3A_402 = arith.index_cast %add3A_398 : i32 to index
          %get3A_403 = arith.constant 32 : index
          %get3A_404 = tpu.vector_load %arg7[%get3A_402, %get3A_403] {strides = array<i32>} : memref<128x128xf32, #tpu.memory_space<vmem>>, vector<1x16xf32>,
          %get3A_405 = vector.shape_cast %get3A_404 : vector<1x16xf32> to vector<16xf32>
          %mul3A_406 = arith.mulf %get3A_401, %get3A_405 : vector<16xf32>
          %swap3A = arith.constant 0 : i32
          %swap3A_407 = arith.constant 0 : i32
          %swap3A_408 = tpu.memref_slice %run_scoped3A_10[%rem3A_252, %swap3A, %swap3A_407] : memref<2x128x32xf32, #tpu.memory_space<vmem>> -> memref<1x128x32xf32, #tpu.memory_space<vmem>>
          %swap3A_409 = tpu.memref_squeeze %swap3A_408 : memref<1x128x32xf32, #tpu.memory_space<vmem>> -> memref<128x32xf32, #tpu.memory_space<vmem>>
          %swap3A_410 = arith.index_cast %add3A_398 : i32 to index
          %swap3A_411 = arith.constant 0 : index
          %swap3A_412 = tpu.vector_load %swap3A_409[%swap3A_410, %swap3A_411] {strides = array<i32>} : memref<128x32xf32, #tpu.memory_space<vmem>>, vector<1x16xf32>,
          %swap3A_413 = vector.shape_cast %swap3A_412 : vector<1x16xf32> to vector<16xf32>
          %swap3A_414 = vector.shape_cast %mul3A_406 : vector<16xf32> to vector<1x16xf32>
          tpu.vector_store %swap3A_409[%swap3A_410, %swap3A_411], %swap3A_414 {strides = array<i32>} : memref<128x32xf32, #tpu.memory_space<vmem>>, vector<1x16xf32>,
          %get3A_415 = arith.index_cast %add3A_398 : i32 to index
          %get3A_416 = arith.constant 16 : index
          %get3A_417 = tpu.vector_load %arg6[%get3A_415, %get3A_416] {strides = array<i32>} : memref<128x128xf32, #tpu.memory_space<vmem>>, vector<1x16xf32>,
          %get3A_418 = vector.shape_cast %get3A_417 : vector<1x16xf32> to vector<16xf32>
          %get3A_419 = arith.index_cast %add3A_398 : i32 to index
          %get3A_420 = arith.constant 48 : index
          %get3A_421 = tpu.vector_load %arg7[%get3A_419, %get3A_420] {strides = array<i32>} : memref<128x128xf32, #tpu.memory_space<vmem>>, vector<1x16xf32>,
          %get3A_422 = vector.shape_cast %get3A_421 : vector<1x16xf32> to vector<16xf32>
          %mul3A_423 = arith.mulf %get3A_418, %get3A_422 : vector<16xf32>
          %swap3A_424 = arith.constant 0 : i32
          %swap3A_425 = arith.constant 0 : i32
          %swap3A_426 = tpu.memref_slice %run_scoped3A_10[%rem3A_252, %swap3A_424, %swap3A_425] : memref<2x128x32xf32, #tpu.memory_space<vmem>> -> memref<1x128x32xf32, #tpu.memory_space<vmem>>
          %swap3A_427 = tpu.memref_squeeze %swap3A_426 : memref<1x128x32xf32, #tpu.memory_space<vmem>> -> memref<128x32xf32, #tpu.memory_space<vmem>>
          %swap3A_428 = arith.index_cast %add3A_398 : i32 to index
          %swap3A_429 = arith.constant 16 : index
          %swap3A_430 = tpu.vector_load %swap3A_427[%swap3A_428, %swap3A_429] {strides = array<i32>} : memref<128x32xf32, #tpu.memory_space<vmem>>, vector<1x16xf32>,
          %swap3A_431 = vector.shape_cast %swap3A_430 : vector<1x16xf32> to vector<16xf32>
          %swap3A_432 = vector.shape_cast %mul3A_423 : vector<16xf32> to vector<1x16xf32>
          tpu.vector_store %swap3A_427[%swap3A_428, %swap3A_429], %swap3A_432 {strides = array<i32>} : memref<128x32xf32, #tpu.memory_space<vmem>>, vector<1x16xf32>,
        }
        %scan3A_301 = arith.constant 128 : i32
        "tpu.trace_stop"() : () -> ()
        %ne3A_302 = arith.cmpi ne, %add3A_161, %add3A_179 : i32
        %or3A_303 = arith.constant false
        %or3A_304 = arith.ori %or3A_303, %ne3A_302 : i1
        %or3A_305 = arith.ori %or3A_304, %eq3A_160 : i1
        %convert_element_type3A_306 = arith.extui %or3A_305 : i1 to i32
        %cond3A_307 = arith.constant 0 : i32
        %cond3A_308 = arith.cmpi ne, %convert_element_type3A_306, %cond3A_307 : i32
        scf.if %cond3A_308 {
        } else {
        }
        %and3A_309 = arith.constant false
        %and3A_310 = arith.andi %or3A_305, %and3A_309 : i1
        %ne3A_311 = arith.cmpi ne, %add3A_161, %add3A_179 : i32
        %or3A_312 = arith.constant false
        %or3A_313 = arith.ori %or3A_312, %ne3A_311 : i1
        %or3A_314 = arith.ori %or3A_313, %eq3A_160 : i1
        %convert_element_type3A_315 = arith.extui %or3A_314 : i1 to i32
        %cond3A_316 = arith.constant 0 : i32
        %cond3A_317 = arith.cmpi ne, %convert_element_type3A_315, %cond3A_316 : i32
        scf.if %cond3A_317 {
        } else {
        }
        %and3A_318 = arith.constant false
        %and3A_319 = arith.andi %or3A_314, %and3A_318 : i1
        %ne3A_320 = arith.cmpi ne, %add3A_161, %add3A_179 : i32
        %or3A_321 = arith.constant false
        %or3A_322 = arith.ori %or3A_321, %ne3A_320 : i1
        %or3A_323 = arith.constant false
        %or3A_324 = arith.ori %or3A_322, %or3A_323 : i1
        %or3A_325 = arith.ori %or3A_324, %eq3A_160 : i1
        %convert_element_type3A_326 = arith.extui %or3A_325 : i1 to i32
        %cond3A_327 = arith.constant 0 : i32
        %cond3A_328 = arith.cmpi ne, %convert_element_type3A_326, %cond3A_327 : i32
        scf.if %cond3A_328 {
          "tpu.trace_start"() <{level = 10 : i32, message = "ep_copy_out"}> : () -> ()
          %rem3A_394 = arith.constant 2 : i32
          %rem3A_395 = arith.remui %scan3A_154, %rem3A_394 : i32
          %mul3A_396 = arith.constant 128 : i32
          %mul3A_397 = arith.muli %mul3A_396, %add3A_161 : i32
          %dma_start3A_398 = arith.constant 0 : i32
          %dma_start3A_399 = arith.constant 0 : i32
          %dma_start3A_400 = tpu.memref_slice %run_scoped3A_10[%rem3A_395, %dma_start3A_398, %dma_start3A_399] : memref<2x128x32xf32, #tpu.memory_space<vmem>> -> memref<1x128x32xf32, #tpu.memory_space<vmem>>
          %dma_start3A_401 = tpu.memref_squeeze %dma_start3A_400 : memref<1x128x32xf32, #tpu.memory_space<vmem>> -> memref<128x32xf32, #tpu.memory_space<vmem>>
          %dma_start3A_402 = arith.constant 0 : i32
          %dma_start3A_403 = tpu.memref_slice %arg5[%mul3A_397, %dma_start3A_402] : memref<16384x32xf32, #tpu.memory_space<hbm>> -> memref<128x32xf32, #tpu.memory_space<hbm>>
          %dma_start3A_404 = tpu.memref_slice %run_scoped3A_11[%rem3A_395] : memref<2x!tpu.dma_semaphore, #tpu.memory_space<semaphore_mem>> -> memref<1x!tpu.dma_semaphore, #tpu.memory_space<semaphore_mem>>
          %dma_start3A_405 = tpu.memref_squeeze %dma_start3A_404 : memref<1x!tpu.dma_semaphore, #tpu.memory_space<semaphore_mem>> -> memref<!tpu.dma_semaphore, #tpu.memory_space<semaphore_mem>>
          %dma_start3A_406 = arith.constant 0 : i32
          %dma_start3A_407 = tpu.memref_slice %arg5[%mul3A_397, %dma_start3A_406] : memref<16384x32xf32, #tpu.memory_space<hbm>> -> memref<128x32xf32, #tpu.memory_space<hbm>>
          %dma_start3A_408 = arith.constant 0 : i32
          %dma_start3A_409 = arith.constant 0 : i32
          %dma_start3A_410 = tpu.memref_slice %run_scoped3A_10[%rem3A_395, %dma_start3A_408, %dma_start3A_409] : memref<2x128x32xf32, #tpu.memory_space<vmem>> -> memref<1x128x32xf32, #tpu.memory_space<vmem>>
          %dma_start3A_411 = tpu.memref_squeeze %dma_start3A_410 : memref<1x128x32xf32, #tpu.memory_space<vmem>> -> memref<128x32xf32, #tpu.memory_space<vmem>>
          tpu.enqueue_dma source(%dma_start3A_411 : memref<128x32xf32, #tpu.memory_space<vmem>>) target(%dma_start3A_407 : memref<128x32xf32, #tpu.memory_space<hbm>>) target_semaphore(%dma_start3A_405 : memref<!tpu.dma_semaphore, #tpu.memory_space<semaphore_mem>>)
          "tpu.trace_stop"() : () -> ()
        } else {
        }
        %and3A_329 = arith.constant true
        %and3A_330 = arith.andi %or3A_325, %and3A_329 : i1
        %add3A_331 = arith.constant 1 : i32
        %add3A_332 = arith.addi %scan3A_154, %add3A_331 : i32
        %select_n3A_333 = arith.select %and3A_330, %add3A_332, %scan3A_154 : i32
        %ne3A_334 = arith.cmpi ne, %add3A_161, %add3A_170 : i32
        %or3A_335 = arith.constant false
        %or3A_336 = arith.ori %or3A_335, %ne3A_334 : i1
        %not3A_337 = arith.constant true
        %not3A_338 = arith.xori %eq3A_158, %not3A_337 : i1
        %and3A_339 = arith.andi %or3A_336, %not3A_338 : i1
        %convert_element_type3A_340 = arith.extui %and3A_339 : i1 to i32
        %cond3A_341 = arith.constant 0 : i32
        %cond3A_342 = arith.cmpi ne, %convert_element_type3A_340, %cond3A_341 : i32
        scf.if %cond3A_342 {
        } else {
        }
        %and3A_343 = arith.constant false
        %and3A_344 = arith.andi %and3A_339, %and3A_343 : i1
        %ne3A_345 = arith.cmpi ne, %add3A_161, %add3A_170 : i32
        %or3A_346 = arith.constant false
        %or3A_347 = arith.ori %or3A_346, %ne3A_345 : i1
        %not3A_348 = arith.constant true
        %not3A_349 = arith.xori %eq3A_158, %not3A_348 : i1
        %and3A_350 = arith.andi %or3A_347, %not3A_349 : i1
        %convert_element_type3A_351 = arith.extui %and3A_350 : i1 to i32
        %cond3A_352 = arith.constant 0 : i32
        %cond3A_353 = arith.cmpi ne, %convert_element_type3A_351, %cond3A_352 : i32
        scf.if %cond3A_353 {
        } else {
        }
        %and3A_354 = arith.constant false
        %and3A_355 = arith.andi %and3A_350, %and3A_354 : i1
        %ne3A_356 = arith.cmpi ne, %add3A_161, %add3A_170 : i32
        %or3A_357 = arith.constant false
        %or3A_358 = arith.ori %or3A_357, %ne3A_356 : i1
        %or3A_359 = arith.constant false
        %or3A_360 = arith.ori %or3A_358, %or3A_359 : i1
        %not3A_361 = arith.constant true
        %not3A_362 = arith.xori %eq3A_158, %not3A_361 : i1
        %and3A_363 = arith.andi %or3A_360, %not3A_362 : i1
        %convert_element_type3A_364 = arith.extui %and3A_363 : i1 to i32
        %cond3A_365 = arith.constant 0 : i32
        %cond3A_366 = arith.cmpi ne, %convert_element_type3A_364, %cond3A_365 : i32
        scf.if %cond3A_366 {
          "tpu.trace_start"() <{level = 10 : i32, message = "ep_wait_out"}> : () -> ()
          %rem3A_394 = arith.constant 2 : i32
          %rem3A_395 = arith.remui %scan3A_155, %rem3A_394 : i32
          %mul3A_396 = arith.constant 128 : i32
          %mul3A_397 = arith.muli %mul3A_396, %add3A_170 : i32
          %dma_wait3A_398 = arith.constant 0 : i32
          %dma_wait3A_399 = arith.constant 0 : i32
          %dma_wait3A_400 = tpu.memref_slice %run_scoped3A_10[%rem3A_395, %dma_wait3A_398, %dma_wait3A_399] : memref<2x128x32xf32, #tpu.memory_space<vmem>> -> memref<1x128x32xf32, #tpu.memory_space<vmem>>
          %dma_wait3A_401 = tpu.memref_squeeze %dma_wait3A_400 : memref<1x128x32xf32, #tpu.memory_space<vmem>> -> memref<128x32xf32, #tpu.memory_space<vmem>>
          %dma_wait3A_402 = arith.constant 0 : i32
          %dma_wait3A_403 = tpu.memref_slice %arg5[%mul3A_397, %dma_wait3A_402] : memref<16384x32xf32, #tpu.memory_space<hbm>> -> memref<128x32xf32, #tpu.memory_space<hbm>>
          %dma_wait3A_404 = tpu.memref_slice %run_scoped3A_11[%rem3A_395] : memref<2x!tpu.dma_semaphore, #tpu.memory_space<semaphore_mem>> -> memref<1x!tpu.dma_semaphore, #tpu.memory_space<semaphore_mem>>
          %dma_wait3A_405 = tpu.memref_squeeze %dma_wait3A_404 : memref<1x!tpu.dma_semaphore, #tpu.memory_space<semaphore_mem>> -> memref<!tpu.dma_semaphore, #tpu.memory_space<semaphore_mem>>
          %dma_wait3A_406 = arith.constant 0 : i32
          %dma_wait3A_407 = tpu.memref_slice %arg5[%mul3A_397, %dma_wait3A_406] : memref<16384x32xf32, #tpu.memory_space<hbm>> -> memref<128x32xf32, #tpu.memory_space<hbm>>
          %dma_wait3A_408 = arith.constant 0 : i32
          %dma_wait3A_409 = arith.constant 0 : i32
          %dma_wait3A_410 = tpu.memref_slice %run_scoped3A_10[%rem3A_395, %dma_wait3A_408, %dma_wait3A_409] : memref<2x128x32xf32, #tpu.memory_space<vmem>> -> memref<1x128x32xf32, #tpu.memory_space<vmem>>
          %dma_wait3A_411 = tpu.memref_squeeze %dma_wait3A_410 : memref<1x128x32xf32, #tpu.memory_space<vmem>> -> memref<128x32xf32, #tpu.memory_space<vmem>>
          tpu.wait_dma2 semaphore(%dma_wait3A_405 : memref<!tpu.dma_semaphore, #tpu.memory_space<semaphore_mem>>) src(%dma_wait3A_411 : memref<128x32xf32, #tpu.memory_space<vmem>>) dst(%dma_wait3A_407 : memref<128x32xf32, #tpu.memory_space<hbm>>)
          "tpu.trace_stop"() : () -> ()
        } else {
        }
        %and3A_367 = arith.constant true
        %and3A_368 = arith.andi %and3A_363, %and3A_367 : i1
        %add3A_369 = arith.constant 1 : i32
        %add3A_370 = arith.addi %scan3A_155, %add3A_369 : i32
        %select_n3A_371 = arith.select %and3A_368, %add3A_370, %scan3A_155 : i32
        %ne3A_372 = arith.cmpi ne, %add3A_161, %add3A_179 : i32
        %or3A_373 = arith.constant false
        %or3A_374 = arith.ori %or3A_373, %ne3A_372 : i1
        %or3A_375 = arith.ori %or3A_374, %eq3A_160 : i1
        %add3A_376 = arith.constant 1 : i32
        %add3A_377 = arith.addi %scan3A_151, %add3A_376 : i32
        %select_n3A_378 = arith.select %or3A_375, %add3A_377, %scan3A_151 : i32
        %ne3A_379 = arith.cmpi ne, %add3A_161, %add3A_179 : i32
        %or3A_380 = arith.constant false
        %or3A_381 = arith.ori %or3A_380, %ne3A_379 : i1
        %or3A_382 = arith.ori %or3A_381, %eq3A_160 : i1
        %add3A_383 = arith.constant 1 : i32
        %add3A_384 = arith.addi %scan3A_153, %add3A_383 : i32
        %select_n3A_385 = arith.select %or3A_382, %add3A_384, %scan3A_153 : i32
        %add3A_386 = arith.constant 1 : i32
        %add3A_387 = arith.addi %scan3A_156, %add3A_386 : i32
        %select_n3A_388 = arith.constant true
        %select_n3A_389 = arith.select %select_n3A_388, %add3A_387, %scan3A_156 : i32
        %eq3A_390 = arith.constant 4 : i32
        %eq3A_391 = arith.cmpi eq, %select_n3A_389, %eq3A_390 : i32
        %select_n3A_392 = arith.constant 0 : i32
        %select_n3A_393 = arith.select %eq3A_391, %select_n3A_392, %select_n3A_389 : i32
        scf.yield %select_n3A_197, %select_n3A_378, %select_n3A_213, %select_n3A_385, %select_n3A_333, %select_n3A_371, %select_n3A_393 : i32, i32, i32, i32, i32, i32, i32
      }
      %scan3A_96 = arith.constant 4 : i32
      %sub3A = arith.constant 1 : i32
      %sub3A_97 = arith.subi %scan3A_95#6, %sub3A : i32
      %select_n3A_98 = arith.constant true
      %select_n3A_99 = arith.select %select_n3A_98, %sub3A_97, %scan3A_95#6 : i32
      %eq3A_100 = arith.constant -1 : i32
      %eq3A_101 = arith.cmpi eq, %select_n3A_99, %eq3A_100 : i32
      %select_n3A_102 = arith.constant 3 : i32
      %select_n3A_103 = arith.select %eq3A_101, %select_n3A_102, %select_n3A_99 : i32
      %add3A_104 = arith.addi %select_n3A_103, %mul3A_6 : i32
      %sub3A_105 = arith.constant 1 : i32
      %sub3A_106 = arith.subi %select_n3A_103, %sub3A_105 : i32
      %select_n3A_107 = arith.constant true
      %select_n3A_108 = arith.select %select_n3A_107, %sub3A_106, %select_n3A_103 : i32
      %eq3A_109 = arith.constant -1 : i32
      %eq3A_110 = arith.cmpi eq, %select_n3A_108, %eq3A_109 : i32
      %select_n3A_111 = arith.constant 3 : i32
      %select_n3A_112 = arith.select %eq3A_110, %select_n3A_111, %select_n3A_108 : i32
      %add3A_113 = arith.addi %select_n3A_112, %mul3A_6 : i32
      %add3A_114 = arith.constant 1 : i32
      %add3A_115 = arith.addi %select_n3A_103, %add3A_114 : i32
      %select_n3A_116 = arith.constant true
      %select_n3A_117 = arith.select %select_n3A_116, %add3A_115, %select_n3A_103 : i32
      %eq3A_118 = arith.constant 4 : i32
      %eq3A_119 = arith.cmpi eq, %select_n3A_117, %eq3A_118 : i32
      %select_n3A_120 = arith.constant 0 : i32
      %select_n3A_121 = arith.select %eq3A_119, %select_n3A_120, %select_n3A_117 : i32
      %add3A_122 = arith.addi %select_n3A_121, %mul3A_6 : i32
      %add3A_123 = arith.constant 1 : i32
      %add3A_124 = arith.addi %select_n3A_121, %add3A_123 : i32
      %select_n3A_125 = arith.constant true
      %select_n3A_126 = arith.select %select_n3A_125, %add3A_124, %select_n3A_121 : i32
      %eq3A_127 = arith.constant 4 : i32
      %eq3A_128 = arith.cmpi eq, %select_n3A_126, %eq3A_127 : i32
      %select_n3A_129 = arith.constant 0 : i32
      %select_n3A_130 = arith.select %eq3A_128, %select_n3A_129, %select_n3A_126 : i32
      %add3A_131 = arith.addi %select_n3A_130, %mul3A_6 : i32
      "tpu.trace_start"() <{level = 10 : i32, message = "ep_finalize"}> : () -> ()
      %rem3A_132 = arith.constant 2 : i32
      %rem3A_133 = arith.remui %scan3A_95#5, %rem3A_132 : i32
      %mul3A_134 = arith.constant 128 : i32
      %mul3A_135 = arith.muli %mul3A_134, %add3A_104 : i32
      %dma_wait3A = arith.constant 0 : i32
      %dma_wait3A_136 = arith.constant 0 : i32
      %dma_wait3A_137 = tpu.memref_slice %run_scoped3A_10[%rem3A_133, %dma_wait3A, %dma_wait3A_136] : memref<2x128x32xf32, #tpu.memory_space<vmem>> -> memref<1x128x32xf32, #tpu.memory_space<vmem>>
      %dma_wait3A_138 = tpu.memref_squeeze %dma_wait3A_137 : memref<1x128x32xf32, #tpu.memory_space<vmem>> -> memref<128x32xf32, #tpu.memory_space<vmem>>
      %dma_wait3A_139 = arith.constant 0 : i32
      %dma_wait3A_140 = tpu.memref_slice %arg5[%mul3A_135, %dma_wait3A_139] : memref<16384x32xf32, #tpu.memory_space<hbm>> -> memref<128x32xf32, #tpu.memory_space<hbm>>
      %dma_wait3A_141 = tpu.memref_slice %run_scoped3A_11[%rem3A_133] : memref<2x!tpu.dma_semaphore, #tpu.memory_space<semaphore_mem>> -> memref<1x!tpu.dma_semaphore, #tpu.memory_space<semaphore_mem>>
      %dma_wait3A_142 = tpu.memref_squeeze %dma_wait3A_141 : memref<1x!tpu.dma_semaphore, #tpu.memory_space<semaphore_mem>> -> memref<!tpu.dma_semaphore, #tpu.memory_space<semaphore_mem>>
      %dma_wait3A_143 = arith.constant 0 : i32
      %dma_wait3A_144 = tpu.memref_slice %arg5[%mul3A_135, %dma_wait3A_143] : memref<16384x32xf32, #tpu.memory_space<hbm>> -> memref<128x32xf32, #tpu.memory_space<hbm>>
      %dma_wait3A_145 = arith.constant 0 : i32
      %dma_wait3A_146 = arith.constant 0 : i32
      %dma_wait3A_147 = tpu.memref_slice %run_scoped3A_10[%rem3A_133, %dma_wait3A_145, %dma_wait3A_146] : memref<2x128x32xf32, #tpu.memory_space<vmem>> -> memref<1x128x32xf32, #tpu.memory_space<vmem>>
      %dma_wait3A_148 = tpu.memref_squeeze %dma_wait3A_147 : memref<1x128x32xf32, #tpu.memory_space<vmem>> -> memref<128x32xf32, #tpu.memory_space<vmem>>
      tpu.wait_dma2 semaphore(%dma_wait3A_142 : memref<!tpu.dma_semaphore, #tpu.memory_space<semaphore_mem>>) src(%dma_wait3A_148 : memref<128x32xf32, #tpu.memory_space<vmem>>) dst(%dma_wait3A_144 : memref<128x32xf32, #tpu.memory_space<hbm>>)
      "tpu.trace_stop"() : () -> ()
      tpu.yield
    }) : () -> ()
    return
  }
}

#map = affine_map<(d0, d1) -> (0, 0)>
module attributes {stable_mosaic.version = 14 : i64} {
  func.func @_sc_mlp(%arg0: i32, %arg1: i32, %arg2: memref<1x16384xi32, #tpu.memory_space<hbm>>, %arg3: memref<1x16384xi32, #tpu.memory_space<hbm>>, %arg4: memref<100000x128xf32, #tpu.memory_space<hbm>>, %arg5: memref<100000x128xf32, #tpu.memory_space<hbm>>, %arg6: memref<16384x128xf32, #tpu.memory_space<hbm>>, %arg7: memref<16384x128xf32, #tpu.memory_space<hbm>>, %arg8: memref<!tpu.dma_semaphore, #tpu.memory_space<semaphore_mem>>, %arg9: memref<!tpu.dma_semaphore, #tpu.memory_space<semaphore_mem>>) attributes {dimension_semantics = [#tpu.dimension_semantics<core_parallel>, #tpu.dimension_semantics<subcore_parallel>], iteration_bounds = array<i64: 2, 16>, scalar_prefetch = 0 : i64, scratch_operands = 2 : i64, tpu.core_type = #tpu.core_type<sc_vector_subcore>, window_params = [{transform_indices = #map}, {transform_indices = #map}, {transform_indices = #map}, {transform_indices = #map}, {transform_indices = #map}, {transform_indices = #map}]} {
    %mul3A = arith.constant 1 : i32
    %mul3A_0 = arith.muli %arg1, %mul3A : i32
    %add3A = arith.constant 0 : i32
    %add3A_1 = arith.addi %add3A, %mul3A_0 : i32
    %mul3A_2 = arith.constant 16 : i32
    %mul3A_3 = arith.muli %arg0, %mul3A_2 : i32
    %add3A_4 = arith.addi %add3A_1, %mul3A_3 : i32
    %mul3A_5 = arith.constant 4 : i32
    %mul3A_6 = arith.muli %add3A_4, %mul3A_5 : i32
    "tpu.region"() ({
      %run_scoped3A = memref.alloca() : memref<2x1x128xi32, #tpu.memory_space<vmem>>
      %run_scoped3A_7 = tpu.sem_alloc : memref<2x!tpu.dma_semaphore, #tpu.memory_space<semaphore_mem>>
      %run_scoped3A_8 = memref.alloca() : memref<2x1x128xi32, #tpu.memory_space<vmem>>
      %run_scoped3A_9 = tpu.sem_alloc : memref<2x!tpu.dma_semaphore, #tpu.memory_space<semaphore_mem>>
      %run_scoped3A_10 = memref.alloca() : memref<2x128x128xf32, #tpu.memory_space<vmem>>
      %run_scoped3A_11 = tpu.sem_alloc : memref<2x!tpu.dma_semaphore, #tpu.memory_space<semaphore_mem>>
      %run_scoped3A_12 = memref.alloca() : memref<2x128x128xf32, #tpu.memory_space<vmem>>
      %run_scoped3A_13 = tpu.sem_alloc : memref<2x!tpu.dma_semaphore, #tpu.memory_space<semaphore_mem>>
      %add3A_14 = arith.constant 0 : i32
      %add3A_15 = arith.addi %add3A_14, %mul3A_6 : i32
      %select_n3A = arith.constant true
      %select_n3A_16 = arith.constant 0 : i32
      %select_n3A_17 = arith.constant -1 : i32
      %select_n3A_18 = arith.select %select_n3A, %select_n3A_17, %select_n3A_16 : i32
      %eq3A = arith.constant -1 : i32
      %eq3A_19 = arith.cmpi eq, %select_n3A_18, %eq3A : i32
      %select_n3A_20 = arith.constant 3 : i32
      %select_n3A_21 = arith.select %eq3A_19, %select_n3A_20, %select_n3A_18 : i32
      %add3A_22 = arith.addi %select_n3A_21, %mul3A_6 : i32
      %select_n3A_23 = arith.constant true
      %select_n3A_24 = arith.constant 0 : i32
      %select_n3A_25 = arith.constant 1 : i32
      %select_n3A_26 = arith.select %select_n3A_23, %select_n3A_25, %select_n3A_24 : i32
      %eq3A_27 = arith.constant 4 : i32
      %eq3A_28 = arith.cmpi eq, %select_n3A_26, %eq3A_27 : i32
      %select_n3A_29 = arith.constant 0 : i32
      %select_n3A_30 = arith.select %eq3A_28, %select_n3A_29, %select_n3A_26 : i32
      %add3A_31 = arith.addi %select_n3A_30, %mul3A_6 : i32
      %add3A_32 = arith.constant 1 : i32
      %add3A_33 = arith.addi %select_n3A_30, %add3A_32 : i32
      %select_n3A_34 = arith.constant true
      %select_n3A_35 = arith.select %select_n3A_34, %add3A_33, %select_n3A_30 : i32
      %eq3A_36 = arith.constant 4 : i32
      %eq3A_37 = arith.cmpi eq, %select_n3A_35, %eq3A_36 : i32
      %select_n3A_38 = arith.constant 0 : i32
      %select_n3A_39 = arith.select %eq3A_37, %select_n3A_38, %select_n3A_35 : i32
      %add3A_40 = arith.addi %select_n3A_39, %mul3A_6 : i32
      "tpu.trace_start"() <{level = 10 : i32, message = "ep_initialize_0"}> : () -> ()
      %rem3A = arith.constant 0 : i32
      %rem3A_41 = arith.constant 2 : i32
      %rem3A_42 = arith.remui %rem3A, %rem3A_41 : i32
      %mul3A_43 = arith.constant 128 : i32
      %mul3A_44 = arith.muli %mul3A_43, %add3A_15 : i32
      %dma_start3A = arith.constant 0 : i32
      %dma_start3A_45 = arith.constant 0 : i32
      %dma_start3A_46 = tpu.memref_slice %run_scoped3A[%rem3A_42, %dma_start3A, %dma_start3A_45] : memref<2x1x128xi32, #tpu.memory_space<vmem>> -> memref<1x1x128xi32, #tpu.memory_space<vmem>>
      %dma_start3A_47 = tpu.memref_squeeze %dma_start3A_46 : memref<1x1x128xi32, #tpu.memory_space<vmem>> -> memref<1x128xi32, #tpu.memory_space<vmem>>
      %dma_start3A_48 = arith.constant 0 : i32
      %dma_start3A_49 = tpu.memref_slice %arg2[%dma_start3A_48, %mul3A_44] : memref<1x16384xi32, #tpu.memory_space<hbm>> -> memref<1x128xi32, #tpu.memory_space<hbm>>
      %dma_start3A_50 = tpu.memref_slice %run_scoped3A_7[%rem3A_42] : memref<2x!tpu.dma_semaphore, #tpu.memory_space<semaphore_mem>> -> memref<1x!tpu.dma_semaphore, #tpu.memory_space<semaphore_mem>>
      %dma_start3A_51 = tpu.memref_squeeze %dma_start3A_50 : memref<1x!tpu.dma_semaphore, #tpu.memory_space<semaphore_mem>> -> memref<!tpu.dma_semaphore, #tpu.memory_space<semaphore_mem>>
      %dma_start3A_52 = arith.constant 0 : i32
      %dma_start3A_53 = arith.constant 0 : i32
      %dma_start3A_54 = tpu.memref_slice %run_scoped3A[%rem3A_42, %dma_start3A_52, %dma_start3A_53] : memref<2x1x128xi32, #tpu.memory_space<vmem>> -> memref<1x1x128xi32, #tpu.memory_space<vmem>>
      %dma_start3A_55 = tpu.memref_squeeze %dma_start3A_54 : memref<1x1x128xi32, #tpu.memory_space<vmem>> -> memref<1x128xi32, #tpu.memory_space<vmem>>
      %dma_start3A_56 = arith.constant 0 : i32
      %dma_start3A_57 = tpu.memref_slice %arg2[%dma_start3A_56, %mul3A_44] : memref<1x16384xi32, #tpu.memory_space<hbm>> -> memref<1x128xi32, #tpu.memory_space<hbm>>
      tpu.enqueue_dma source(%dma_start3A_57 : memref<1x128xi32, #tpu.memory_space<hbm>>) target(%dma_start3A_55 : memref<1x128xi32, #tpu.memory_space<vmem>>) target_semaphore(%dma_start3A_51 : memref<!tpu.dma_semaphore, #tpu.memory_space<semaphore_mem>>)
      %add3A_58 = arith.constant 0 : i32
      %add3A_59 = arith.constant 1 : i32
      %add3A_60 = arith.addi %add3A_58, %add3A_59 : i32
      %select_n3A_61 = arith.constant true
      %select_n3A_62 = arith.constant 0 : i32
      %select_n3A_63 = arith.select %select_n3A_61, %add3A_60, %select_n3A_62 : i32
      %rem3A_64 = arith.constant 0 : i32
      %rem3A_65 = arith.constant 2 : i32
      %rem3A_66 = arith.remui %rem3A_64, %rem3A_65 : i32
      %mul3A_67 = arith.constant 128 : i32
      %mul3A_68 = arith.muli %mul3A_67, %add3A_15 : i32
      %dma_start3A_69 = arith.constant 0 : i32
      %dma_start3A_70 = arith.constant 0 : i32
      %dma_start3A_71 = tpu.memref_slice %run_scoped3A_8[%rem3A_66, %dma_start3A_69, %dma_start3A_70] : memref<2x1x128xi32, #tpu.memory_space<vmem>> -> memref<1x1x128xi32, #tpu.memory_space<vmem>>
      %dma_start3A_72 = tpu.memref_squeeze %dma_start3A_71 : memref<1x1x128xi32, #tpu.memory_space<vmem>> -> memref<1x128xi32, #tpu.memory_space<vmem>>
      %dma_start3A_73 = arith.constant 0 : i32
      %dma_start3A_74 = tpu.memref_slice %arg3[%dma_start3A_73, %mul3A_68] : memref<1x16384xi32, #tpu.memory_space<hbm>> -> memref<1x128xi32, #tpu.memory_space<hbm>>
      %dma_start3A_75 = tpu.memref_slice %run_scoped3A_9[%rem3A_66] : memref<2x!tpu.dma_semaphore, #tpu.memory_space<semaphore_mem>> -> memref<1x!tpu.dma_semaphore, #tpu.memory_space<semaphore_mem>>
      %dma_start3A_76 = tpu.memref_squeeze %dma_start3A_75 : memref<1x!tpu.dma_semaphore, #tpu.memory_space<semaphore_mem>> -> memref<!tpu.dma_semaphore, #tpu.memory_space<semaphore_mem>>
      %dma_start3A_77 = arith.constant 0 : i32
      %dma_start3A_78 = arith.constant 0 : i32
      %dma_start3A_79 = tpu.memref_slice %run_scoped3A_8[%rem3A_66, %dma_start3A_77, %dma_start3A_78] : memref<2x1x128xi32, #tpu.memory_space<vmem>> -> memref<1x1x128xi32, #tpu.memory_space<vmem>>
      %dma_start3A_80 = tpu.memref_squeeze %dma_start3A_79 : memref<1x1x128xi32, #tpu.memory_space<vmem>> -> memref<1x128xi32, #tpu.memory_space<vmem>>
      %dma_start3A_81 = arith.constant 0 : i32
      %dma_start3A_82 = tpu.memref_slice %arg3[%dma_start3A_81, %mul3A_68] : memref<1x16384xi32, #tpu.memory_space<hbm>> -> memref<1x128xi32, #tpu.memory_space<hbm>>
      tpu.enqueue_dma source(%dma_start3A_82 : memref<1x128xi32, #tpu.memory_space<hbm>>) target(%dma_start3A_80 : memref<1x128xi32, #tpu.memory_space<vmem>>) target_semaphore(%dma_start3A_76 : memref<!tpu.dma_semaphore, #tpu.memory_space<semaphore_mem>>)
      %add3A_83 = arith.constant 0 : i32
      %add3A_84 = arith.constant 1 : i32
      %add3A_85 = arith.addi %add3A_83, %add3A_84 : i32
      %select_n3A_86 = arith.constant true
      %select_n3A_87 = arith.constant 0 : i32
      %select_n3A_88 = arith.select %select_n3A_86, %add3A_85, %select_n3A_87 : i32
      "tpu.trace_stop"() : () -> ()
      %scan3A = arith.constant 0 : i32
      %scan3A_89 = arith.constant 0 : i32
      %scan3A_90 = arith.constant 0 : i32
      %scan3A_91 = arith.constant 0 : i32
      %scan3A_92 = arith.constant 0 : i32
      %scan3A_93 = arith.constant 0 : i32
      %scan3A_94 = arith.constant 0 : i32
      %scan3A_95 = arith.constant 0 : i32
      %scan3A_96 = arith.constant 4 : i32
      %scan3A_97 = arith.addi %scan3A_95, %scan3A_96 : i32
      %scan3A_98 = arith.constant 1 : i32
      %scan3A_99:9 = scf.for %scan3A_171 = %scan3A_95 to %scan3A_97 step %scan3A_98 iter_args(%scan3A_172 = %select_n3A_63, %scan3A_173 = %scan3A, %scan3A_174 = %select_n3A_88, %scan3A_175 = %scan3A_89, %scan3A_176 = %scan3A_90, %scan3A_177 = %scan3A_91, %scan3A_178 = %scan3A_92, %scan3A_179 = %scan3A_93, %scan3A_180 = %scan3A_94) -> (i32, i32, i32, i32, i32, i32, i32, i32, i32)  : i32 {
        %eq3A_181 = arith.constant 0 : i32
        %eq3A_182 = arith.cmpi eq, %scan3A_171, %eq3A_181 : i32
        %eq3A_183 = arith.constant 3 : i32
        %eq3A_184 = arith.cmpi eq, %scan3A_171, %eq3A_183 : i32
        %add3A_185 = arith.addi %scan3A_180, %mul3A_6 : i32
        %sub3A_186 = arith.constant 1 : i32
        %sub3A_187 = arith.subi %scan3A_180, %sub3A_186 : i32
        %select_n3A_188 = arith.constant true
        %select_n3A_189 = arith.select %select_n3A_188, %sub3A_187, %scan3A_180 : i32
        %eq3A_190 = arith.constant -1 : i32
        %eq3A_191 = arith.cmpi eq, %select_n3A_189, %eq3A_190 : i32
        %select_n3A_192 = arith.constant 3 : i32
        %select_n3A_193 = arith.select %eq3A_191, %select_n3A_192, %select_n3A_189 : i32
        %add3A_194 = arith.addi %select_n3A_193, %mul3A_6 : i32
        %add3A_195 = arith.constant 1 : i32
        %add3A_196 = arith.addi %scan3A_180, %add3A_195 : i32
        %select_n3A_197 = arith.constant true
        %select_n3A_198 = arith.select %select_n3A_197, %add3A_196, %scan3A_180 : i32
        %eq3A_199 = arith.constant 4 : i32
        %eq3A_200 = arith.cmpi eq, %select_n3A_198, %eq3A_199 : i32
        %select_n3A_201 = arith.constant 0 : i32
        %select_n3A_202 = arith.select %eq3A_200, %select_n3A_201, %select_n3A_198 : i32
        %add3A_203 = arith.addi %select_n3A_202, %mul3A_6 : i32
        %add3A_204 = arith.constant 1 : i32
        %add3A_205 = arith.addi %select_n3A_202, %add3A_204 : i32
        %select_n3A_206 = arith.constant true
        %select_n3A_207 = arith.select %select_n3A_206, %add3A_205, %select_n3A_202 : i32
        %eq3A_208 = arith.constant 4 : i32
        %eq3A_209 = arith.cmpi eq, %select_n3A_207, %eq3A_208 : i32
        %select_n3A_210 = arith.constant 0 : i32
        %select_n3A_211 = arith.select %eq3A_209, %select_n3A_210, %select_n3A_207 : i32
        %add3A_212 = arith.addi %select_n3A_211, %mul3A_6 : i32
        %ne3A = arith.cmpi ne, %add3A_185, %add3A_203 : i32
        %or3A = arith.constant false
        %or3A_213 = arith.ori %or3A, %ne3A : i1
        %ge3A = arith.constant 3 : i32
        %ge3A_214 = arith.cmpi sge, %scan3A_171, %ge3A : i32
        %not3A = arith.constant true
        %not3A_215 = arith.xori %ge3A_214, %not3A : i1
        %and3A = arith.andi %or3A_213, %not3A_215 : i1
        %convert_element_type3A = arith.extui %and3A : i1 to i32
        %cond3A = arith.constant 0 : i32
        %cond3A_216 = arith.cmpi ne, %convert_element_type3A, %cond3A : i32
        scf.if %cond3A_216 {
          "tpu.trace_start"() <{level = 10 : i32, message = "ep_copy_in"}> : () -> ()
          %rem3A_480 = arith.constant 2 : i32
          %rem3A_481 = arith.remui %scan3A_172, %rem3A_480 : i32
          %mul3A_482 = arith.constant 128 : i32
          %mul3A_483 = arith.muli %mul3A_482, %add3A_203 : i32
          %dma_start3A_484 = arith.constant 0 : i32
          %dma_start3A_485 = arith.constant 0 : i32
          %dma_start3A_486 = tpu.memref_slice %run_scoped3A[%rem3A_481, %dma_start3A_484, %dma_start3A_485] : memref<2x1x128xi32, #tpu.memory_space<vmem>> -> memref<1x1x128xi32, #tpu.memory_space<vmem>>
          %dma_start3A_487 = tpu.memref_squeeze %dma_start3A_486 : memref<1x1x128xi32, #tpu.memory_space<vmem>> -> memref<1x128xi32, #tpu.memory_space<vmem>>
          %dma_start3A_488 = arith.constant 0 : i32
          %dma_start3A_489 = tpu.memref_slice %arg2[%dma_start3A_488, %mul3A_483] : memref<1x16384xi32, #tpu.memory_space<hbm>> -> memref<1x128xi32, #tpu.memory_space<hbm>>
          %dma_start3A_490 = tpu.memref_slice %run_scoped3A_7[%rem3A_481] : memref<2x!tpu.dma_semaphore, #tpu.memory_space<semaphore_mem>> -> memref<1x!tpu.dma_semaphore, #tpu.memory_space<semaphore_mem>>
          %dma_start3A_491 = tpu.memref_squeeze %dma_start3A_490 : memref<1x!tpu.dma_semaphore, #tpu.memory_space<semaphore_mem>> -> memref<!tpu.dma_semaphore, #tpu.memory_space<semaphore_mem>>
          %dma_start3A_492 = arith.constant 0 : i32
          %dma_start3A_493 = arith.constant 0 : i32
          %dma_start3A_494 = tpu.memref_slice %run_scoped3A[%rem3A_481, %dma_start3A_492, %dma_start3A_493] : memref<2x1x128xi32, #tpu.memory_space<vmem>> -> memref<1x1x128xi32, #tpu.memory_space<vmem>>
          %dma_start3A_495 = tpu.memref_squeeze %dma_start3A_494 : memref<1x1x128xi32, #tpu.memory_space<vmem>> -> memref<1x128xi32, #tpu.memory_space<vmem>>
          %dma_start3A_496 = arith.constant 0 : i32
          %dma_start3A_497 = tpu.memref_slice %arg2[%dma_start3A_496, %mul3A_483] : memref<1x16384xi32, #tpu.memory_space<hbm>> -> memref<1x128xi32, #tpu.memory_space<hbm>>
          tpu.enqueue_dma source(%dma_start3A_497 : memref<1x128xi32, #tpu.memory_space<hbm>>) target(%dma_start3A_495 : memref<1x128xi32, #tpu.memory_space<vmem>>) target_semaphore(%dma_start3A_491 : memref<!tpu.dma_semaphore, #tpu.memory_space<semaphore_mem>>)
          "tpu.trace_stop"() : () -> ()
        } else {
        }
        %and3A_217 = arith.constant true
        %and3A_218 = arith.andi %and3A, %and3A_217 : i1
        %add3A_219 = arith.constant 1 : i32
        %add3A_220 = arith.addi %scan3A_172, %add3A_219 : i32
        %select_n3A_221 = arith.select %and3A_218, %add3A_220, %scan3A_172 : i32
        %ne3A_222 = arith.cmpi ne, %add3A_185, %add3A_203 : i32
        %or3A_223 = arith.constant false
        %or3A_224 = arith.ori %or3A_223, %ne3A_222 : i1
        %ge3A_225 = arith.constant 3 : i32
        %ge3A_226 = arith.cmpi sge, %scan3A_171, %ge3A_225 : i32
        %not3A_227 = arith.constant true
        %not3A_228 = arith.xori %ge3A_226, %not3A_227 : i1
        %and3A_229 = arith.andi %or3A_224, %not3A_228 : i1
        %convert_element_type3A_230 = arith.extui %and3A_229 : i1 to i32
        %cond3A_231 = arith.constant 0 : i32
        %cond3A_232 = arith.cmpi ne, %convert_element_type3A_230, %cond3A_231 : i32
        scf.if %cond3A_232 {
          "tpu.trace_start"() <{level = 10 : i32, message = "ep_copy_in"}> : () -> ()
          %rem3A_480 = arith.constant 2 : i32
          %rem3A_481 = arith.remui %scan3A_174, %rem3A_480 : i32
          %mul3A_482 = arith.constant 128 : i32
          %mul3A_483 = arith.muli %mul3A_482, %add3A_203 : i32
          %dma_start3A_484 = arith.constant 0 : i32
          %dma_start3A_485 = arith.constant 0 : i32
          %dma_start3A_486 = tpu.memref_slice %run_scoped3A_8[%rem3A_481, %dma_start3A_484, %dma_start3A_485] : memref<2x1x128xi32, #tpu.memory_space<vmem>> -> memref<1x1x128xi32, #tpu.memory_space<vmem>>
          %dma_start3A_487 = tpu.memref_squeeze %dma_start3A_486 : memref<1x1x128xi32, #tpu.memory_space<vmem>> -> memref<1x128xi32, #tpu.memory_space<vmem>>
          %dma_start3A_488 = arith.constant 0 : i32
          %dma_start3A_489 = tpu.memref_slice %arg3[%dma_start3A_488, %mul3A_483] : memref<1x16384xi32, #tpu.memory_space<hbm>> -> memref<1x128xi32, #tpu.memory_space<hbm>>
          %dma_start3A_490 = tpu.memref_slice %run_scoped3A_9[%rem3A_481] : memref<2x!tpu.dma_semaphore, #tpu.memory_space<semaphore_mem>> -> memref<1x!tpu.dma_semaphore, #tpu.memory_space<semaphore_mem>>
          %dma_start3A_491 = tpu.memref_squeeze %dma_start3A_490 : memref<1x!tpu.dma_semaphore, #tpu.memory_space<semaphore_mem>> -> memref<!tpu.dma_semaphore, #tpu.memory_space<semaphore_mem>>
          %dma_start3A_492 = arith.constant 0 : i32
          %dma_start3A_493 = arith.constant 0 : i32
          %dma_start3A_494 = tpu.memref_slice %run_scoped3A_8[%rem3A_481, %dma_start3A_492, %dma_start3A_493] : memref<2x1x128xi32, #tpu.memory_space<vmem>> -> memref<1x1x128xi32, #tpu.memory_space<vmem>>
          %dma_start3A_495 = tpu.memref_squeeze %dma_start3A_494 : memref<1x1x128xi32, #tpu.memory_space<vmem>> -> memref<1x128xi32, #tpu.memory_space<vmem>>
          %dma_start3A_496 = arith.constant 0 : i32
          %dma_start3A_497 = tpu.memref_slice %arg3[%dma_start3A_496, %mul3A_483] : memref<1x16384xi32, #tpu.memory_space<hbm>> -> memref<1x128xi32, #tpu.memory_space<hbm>>
          tpu.enqueue_dma source(%dma_start3A_497 : memref<1x128xi32, #tpu.memory_space<hbm>>) target(%dma_start3A_495 : memref<1x128xi32, #tpu.memory_space<vmem>>) target_semaphore(%dma_start3A_491 : memref<!tpu.dma_semaphore, #tpu.memory_space<semaphore_mem>>)
          "tpu.trace_stop"() : () -> ()
        } else {
        }
        %and3A_233 = arith.constant true
        %and3A_234 = arith.andi %and3A_229, %and3A_233 : i1
        %add3A_235 = arith.constant 1 : i32
        %add3A_236 = arith.addi %scan3A_174, %add3A_235 : i32
        %select_n3A_237 = arith.select %and3A_234, %add3A_236, %scan3A_174 : i32
        %ne3A_238 = arith.cmpi ne, %add3A_185, %add3A_203 : i32
        %or3A_239 = arith.constant false
        %or3A_240 = arith.ori %or3A_239, %ne3A_238 : i1
        %or3A_241 = arith.constant false
        %or3A_242 = arith.ori %or3A_240, %or3A_241 : i1
        %ge3A_243 = arith.constant 3 : i32
        %ge3A_244 = arith.cmpi sge, %scan3A_171, %ge3A_243 : i32
        %not3A_245 = arith.constant true
        %not3A_246 = arith.xori %ge3A_244, %not3A_245 : i1
        %and3A_247 = arith.andi %or3A_242, %not3A_246 : i1
        %ne3A_248 = arith.cmpi ne, %add3A_185, %add3A_203 : i32
        %or3A_249 = arith.constant false
        %or3A_250 = arith.ori %or3A_249, %ne3A_248 : i1
        %or3A_251 = arith.constant false
        %or3A_252 = arith.ori %or3A_250, %or3A_251 : i1
        %ge3A_253 = arith.constant 3 : i32
        %ge3A_254 = arith.cmpi sge, %scan3A_171, %ge3A_253 : i32
        %not3A_255 = arith.constant true
        %not3A_256 = arith.xori %ge3A_254, %not3A_255 : i1
        %and3A_257 = arith.andi %or3A_252, %not3A_256 : i1
        %ne3A_258 = arith.cmpi ne, %add3A_185, %add3A_194 : i32
        %or3A_259 = arith.constant false
        %or3A_260 = arith.ori %or3A_259, %ne3A_258 : i1
        %or3A_261 = arith.ori %or3A_260, %eq3A_182 : i1
        %convert_element_type3A_262 = arith.extui %or3A_261 : i1 to i32
        %cond3A_263 = arith.constant 0 : i32
        %cond3A_264 = arith.cmpi ne, %convert_element_type3A_262, %cond3A_263 : i32
        scf.if %cond3A_264 {
          "tpu.trace_start"() <{level = 10 : i32, message = "ep_wait_in"}> : () -> ()
          %mul3A_480 = arith.constant 128 : i32
          %mul3A_481 = arith.muli %mul3A_480, %add3A_185 : i32
          %rem3A_482 = arith.constant 2 : i32
          %rem3A_483 = arith.remui %scan3A_173, %rem3A_482 : i32
          %dma_wait3A_484 = arith.constant 0 : i32
          %dma_wait3A_485 = arith.constant 0 : i32
          %dma_wait3A_486 = tpu.memref_slice %run_scoped3A[%rem3A_483, %dma_wait3A_484, %dma_wait3A_485] : memref<2x1x128xi32, #tpu.memory_space<vmem>> -> memref<1x1x128xi32, #tpu.memory_space<vmem>>
          %dma_wait3A_487 = tpu.memref_squeeze %dma_wait3A_486 : memref<1x1x128xi32, #tpu.memory_space<vmem>> -> memref<1x128xi32, #tpu.memory_space<vmem>>
          %dma_wait3A_488 = arith.constant 0 : i32
          %dma_wait3A_489 = tpu.memref_slice %arg2[%dma_wait3A_488, %mul3A_481] : memref<1x16384xi32, #tpu.memory_space<hbm>> -> memref<1x128xi32, #tpu.memory_space<hbm>>
          %dma_wait3A_490 = tpu.memref_slice %run_scoped3A_7[%rem3A_483] : memref<2x!tpu.dma_semaphore, #tpu.memory_space<semaphore_mem>> -> memref<1x!tpu.dma_semaphore, #tpu.memory_space<semaphore_mem>>
          %dma_wait3A_491 = tpu.memref_squeeze %dma_wait3A_490 : memref<1x!tpu.dma_semaphore, #tpu.memory_space<semaphore_mem>> -> memref<!tpu.dma_semaphore, #tpu.memory_space<semaphore_mem>>
          %dma_wait3A_492 = arith.constant 0 : i32
          %dma_wait3A_493 = arith.constant 0 : i32
          %dma_wait3A_494 = tpu.memref_slice %run_scoped3A[%rem3A_483, %dma_wait3A_492, %dma_wait3A_493] : memref<2x1x128xi32, #tpu.memory_space<vmem>> -> memref<1x1x128xi32, #tpu.memory_space<vmem>>
          %dma_wait3A_495 = tpu.memref_squeeze %dma_wait3A_494 : memref<1x1x128xi32, #tpu.memory_space<vmem>> -> memref<1x128xi32, #tpu.memory_space<vmem>>
          %dma_wait3A_496 = arith.constant 0 : i32
          %dma_wait3A_497 = tpu.memref_slice %arg2[%dma_wait3A_496, %mul3A_481] : memref<1x16384xi32, #tpu.memory_space<hbm>> -> memref<1x128xi32, #tpu.memory_space<hbm>>
          tpu.wait_dma2 semaphore(%dma_wait3A_491 : memref<!tpu.dma_semaphore, #tpu.memory_space<semaphore_mem>>) src(%dma_wait3A_497 : memref<1x128xi32, #tpu.memory_space<hbm>>) dst(%dma_wait3A_495 : memref<1x128xi32, #tpu.memory_space<vmem>>)
          "tpu.trace_stop"() : () -> ()
        } else {
        }
        %ne3A_265 = arith.cmpi ne, %add3A_185, %add3A_194 : i32
        %or3A_266 = arith.constant false
        %or3A_267 = arith.ori %or3A_266, %ne3A_265 : i1
        %or3A_268 = arith.ori %or3A_267, %eq3A_182 : i1
        %convert_element_type3A_269 = arith.extui %or3A_268 : i1 to i32
        %cond3A_270 = arith.constant 0 : i32
        %cond3A_271 = arith.cmpi ne, %convert_element_type3A_269, %cond3A_270 : i32
        scf.if %cond3A_271 {
          "tpu.trace_start"() <{level = 10 : i32, message = "ep_wait_in"}> : () -> ()
          %mul3A_480 = arith.constant 128 : i32
          %mul3A_481 = arith.muli %mul3A_480, %add3A_185 : i32
          %rem3A_482 = arith.constant 2 : i32
          %rem3A_483 = arith.remui %scan3A_175, %rem3A_482 : i32
          %dma_wait3A_484 = arith.constant 0 : i32
          %dma_wait3A_485 = arith.constant 0 : i32
          %dma_wait3A_486 = tpu.memref_slice %run_scoped3A_8[%rem3A_483, %dma_wait3A_484, %dma_wait3A_485] : memref<2x1x128xi32, #tpu.memory_space<vmem>> -> memref<1x1x128xi32, #tpu.memory_space<vmem>>
          %dma_wait3A_487 = tpu.memref_squeeze %dma_wait3A_486 : memref<1x1x128xi32, #tpu.memory_space<vmem>> -> memref<1x128xi32, #tpu.memory_space<vmem>>
          %dma_wait3A_488 = arith.constant 0 : i32
          %dma_wait3A_489 = tpu.memref_slice %arg3[%dma_wait3A_488, %mul3A_481] : memref<1x16384xi32, #tpu.memory_space<hbm>> -> memref<1x128xi32, #tpu.memory_space<hbm>>
          %dma_wait3A_490 = tpu.memref_slice %run_scoped3A_9[%rem3A_483] : memref<2x!tpu.dma_semaphore, #tpu.memory_space<semaphore_mem>> -> memref<1x!tpu.dma_semaphore, #tpu.memory_space<semaphore_mem>>
          %dma_wait3A_491 = tpu.memref_squeeze %dma_wait3A_490 : memref<1x!tpu.dma_semaphore, #tpu.memory_space<semaphore_mem>> -> memref<!tpu.dma_semaphore, #tpu.memory_space<semaphore_mem>>
          %dma_wait3A_492 = arith.constant 0 : i32
          %dma_wait3A_493 = arith.constant 0 : i32
          %dma_wait3A_494 = tpu.memref_slice %run_scoped3A_8[%rem3A_483, %dma_wait3A_492, %dma_wait3A_493] : memref<2x1x128xi32, #tpu.memory_space<vmem>> -> memref<1x1x128xi32, #tpu.memory_space<vmem>>
          %dma_wait3A_495 = tpu.memref_squeeze %dma_wait3A_494 : memref<1x1x128xi32, #tpu.memory_space<vmem>> -> memref<1x128xi32, #tpu.memory_space<vmem>>
          %dma_wait3A_496 = arith.constant 0 : i32
          %dma_wait3A_497 = tpu.memref_slice %arg3[%dma_wait3A_496, %mul3A_481] : memref<1x16384xi32, #tpu.memory_space<hbm>> -> memref<1x128xi32, #tpu.memory_space<hbm>>
          tpu.wait_dma2 semaphore(%dma_wait3A_491 : memref<!tpu.dma_semaphore, #tpu.memory_space<semaphore_mem>>) src(%dma_wait3A_497 : memref<1x128xi32, #tpu.memory_space<hbm>>) dst(%dma_wait3A_495 : memref<1x128xi32, #tpu.memory_space<vmem>>)
          "tpu.trace_stop"() : () -> ()
        } else {
        }
        %ne3A_272 = arith.cmpi ne, %add3A_185, %add3A_194 : i32
        %or3A_273 = arith.constant false
        %or3A_274 = arith.ori %or3A_273, %ne3A_272 : i1
        %or3A_275 = arith.constant false
        %or3A_276 = arith.ori %or3A_274, %or3A_275 : i1
        %or3A_277 = arith.ori %or3A_276, %eq3A_182 : i1
        %convert_element_type3A_278 = arith.extui %or3A_277 : i1 to i32
        %cond3A_279 = arith.constant 0 : i32
        %cond3A_280 = arith.cmpi ne, %convert_element_type3A_278, %cond3A_279 : i32
        scf.if %cond3A_280 {
        } else {
        }
        %ne3A_281 = arith.cmpi ne, %add3A_185, %add3A_194 : i32
        %or3A_282 = arith.constant false
        %or3A_283 = arith.ori %or3A_282, %ne3A_281 : i1
        %or3A_284 = arith.constant false
        %or3A_285 = arith.ori %or3A_283, %or3A_284 : i1
        %or3A_286 = arith.ori %or3A_285, %eq3A_182 : i1
        %convert_element_type3A_287 = arith.extui %or3A_286 : i1 to i32
        %cond3A_288 = arith.constant 0 : i32
        %cond3A_289 = arith.cmpi ne, %convert_element_type3A_287, %cond3A_288 : i32
        scf.if %cond3A_289 {
        } else {
        }
        %rem3A_290 = arith.constant 2 : i32
        %rem3A_291 = arith.remui %scan3A_173, %rem3A_290 : i32
        %rem3A_292 = arith.constant 2 : i32
        %rem3A_293 = arith.remui %scan3A_175, %rem3A_292 : i32
        %rem3A_294 = arith.constant 2 : i32
        %rem3A_295 = arith.remui %scan3A_176, %rem3A_294 : i32
        %rem3A_296 = arith.constant 2 : i32
        %rem3A_297 = arith.remui %scan3A_178, %rem3A_296 : i32
        %dma_start3A_298 = arith.constant 0 : i32
        "tpu.trace_start"() <{level = 10 : i32, message = "ep_run_kernel"}> : () -> ()
        %dma_start3A_299 = arith.constant 0 : i32
        %dma_start3A_300 = arith.constant 0 : i32
        %dma_start3A_301 = tpu.memref_slice %run_scoped3A_10[%rem3A_295, %dma_start3A_299, %dma_start3A_300] : memref<2x128x128xf32, #tpu.memory_space<vmem>> -> memref<1x128x128xf32, #tpu.memory_space<vmem>>
        %dma_start3A_302 = tpu.memref_squeeze %dma_start3A_301 : memref<1x128x128xf32, #tpu.memory_space<vmem>> -> memref<128x128xf32, #tpu.memory_space<vmem>>
        %dma_start3A_303 = arith.constant 0 : i32
        %dma_start3A_304 = arith.constant 0 : i32
        %dma_start3A_305 = tpu.memref_slice %run_scoped3A[%rem3A_291, %dma_start3A_303, %dma_start3A_304] : memref<2x1x128xi32, #tpu.memory_space<vmem>> -> memref<1x1x128xi32, #tpu.memory_space<vmem>>
        %dma_start3A_306 = tpu.memref_squeeze %dma_start3A_305 : memref<1x1x128xi32, #tpu.memory_space<vmem>> -> memref<1x128xi32, #tpu.memory_space<vmem>>
        %dma_start3A_307 = arith.constant 0 : i32
        %dma_start3A_308 = tpu.memref_slice %dma_start3A_306[%dma_start3A_298, %dma_start3A_307] : memref<1x128xi32, #tpu.memory_space<vmem>> -> memref<1x128xi32, #tpu.memory_space<vmem>>
        %dma_start3A_309 = tpu.memref_squeeze %dma_start3A_308 : memref<1x128xi32, #tpu.memory_space<vmem>> -> memref<128xi32, #tpu.memory_space<vmem>>
        %dma_start3A_310 = arith.constant 0 : i32
        %dma_start3A_311 = arith.constant 0 : i32
        %dma_start3A_312 = tpu.memref_slice %arg4[%dma_start3A_310, %dma_start3A_311] : memref<100000x128xf32, #tpu.memory_space<hbm>> -> memref<100000x128xf32, #tpu.memory_space<hbm>>
        tpu.enqueue_indirect_dma source(%dma_start3A_312 : memref<100000x128xf32, #tpu.memory_space<hbm>>) target(%dma_start3A_302 : memref<128x128xf32, #tpu.memory_space<vmem>>) offsets(%dma_start3A_309 : memref<128xi32, #tpu.memory_space<vmem>>) semaphore(%arg8 : memref<!tpu.dma_semaphore, #tpu.memory_space<semaphore_mem>>)
        %dma_start3A_313 = arith.constant 0 : i32
        %dma_start3A_314 = arith.constant 0 : i32
        %dma_start3A_315 = arith.constant 0 : i32
        %dma_start3A_316 = tpu.memref_slice %run_scoped3A_12[%rem3A_297, %dma_start3A_314, %dma_start3A_315] : memref<2x128x128xf32, #tpu.memory_space<vmem>> -> memref<1x128x128xf32, #tpu.memory_space<vmem>>
        %dma_start3A_317 = tpu.memref_squeeze %dma_start3A_316 : memref<1x128x128xf32, #tpu.memory_space<vmem>> -> memref<128x128xf32, #tpu.memory_space<vmem>>
        %dma_start3A_318 = arith.constant 0 : i32
        %dma_start3A_319 = arith.constant 0 : i32
        %dma_start3A_320 = tpu.memref_slice %run_scoped3A_8[%rem3A_293, %dma_start3A_318, %dma_start3A_319] : memref<2x1x128xi32, #tpu.memory_space<vmem>> -> memref<1x1x128xi32, #tpu.memory_space<vmem>>
        %dma_start3A_321 = tpu.memref_squeeze %dma_start3A_320 : memref<1x1x128xi32, #tpu.memory_space<vmem>> -> memref<1x128xi32, #tpu.memory_space<vmem>>
        %dma_start3A_322 = arith.constant 0 : i32
        %dma_start3A_323 = tpu.memref_slice %dma_start3A_321[%dma_start3A_313, %dma_start3A_322] : memref<1x128xi32, #tpu.memory_space<vmem>> -> memref<1x128xi32, #tpu.memory_space<vmem>>
        %dma_start3A_324 = tpu.memref_squeeze %dma_start3A_323 : memref<1x128xi32, #tpu.memory_space<vmem>> -> memref<128xi32, #tpu.memory_space<vmem>>
        %dma_start3A_325 = arith.constant 0 : i32
        %dma_start3A_326 = arith.constant 0 : i32
        %dma_start3A_327 = tpu.memref_slice %arg5[%dma_start3A_325, %dma_start3A_326] : memref<100000x128xf32, #tpu.memory_space<hbm>> -> memref<100000x128xf32, #tpu.memory_space<hbm>>
        tpu.enqueue_indirect_dma source(%dma_start3A_327 : memref<100000x128xf32, #tpu.memory_space<hbm>>) target(%dma_start3A_317 : memref<128x128xf32, #tpu.memory_space<vmem>>) offsets(%dma_start3A_324 : memref<128xi32, #tpu.memory_space<vmem>>) semaphore(%arg9 : memref<!tpu.dma_semaphore, #tpu.memory_space<semaphore_mem>>)
        %dma_wait3A_328 = arith.constant 0 : i32
        %dma_wait3A_329 = arith.constant 0 : i32
        %dma_wait3A_330 = arith.constant 0 : i32
        %dma_wait3A_331 = tpu.memref_slice %run_scoped3A_10[%rem3A_295, %dma_wait3A_329, %dma_wait3A_330] : memref<2x128x128xf32, #tpu.memory_space<vmem>> -> memref<1x128x128xf32, #tpu.memory_space<vmem>>
        %dma_wait3A_332 = tpu.memref_squeeze %dma_wait3A_331 : memref<1x128x128xf32, #tpu.memory_space<vmem>> -> memref<128x128xf32, #tpu.memory_space<vmem>>
        %dma_wait3A_333 = arith.constant 0 : i32
        %dma_wait3A_334 = arith.constant 0 : i32
        %dma_wait3A_335 = tpu.memref_slice %run_scoped3A[%rem3A_291, %dma_wait3A_333, %dma_wait3A_334] : memref<2x1x128xi32, #tpu.memory_space<vmem>> -> memref<1x1x128xi32, #tpu.memory_space<vmem>>
        %dma_wait3A_336 = tpu.memref_squeeze %dma_wait3A_335 : memref<1x1x128xi32, #tpu.memory_space<vmem>> -> memref<1x128xi32, #tpu.memory_space<vmem>>
        %dma_wait3A_337 = arith.constant 0 : i32
        %dma_wait3A_338 = tpu.memref_slice %dma_wait3A_336[%dma_wait3A_328, %dma_wait3A_337] : memref<1x128xi32, #tpu.memory_space<vmem>> -> memref<1x128xi32, #tpu.memory_space<vmem>>
        %dma_wait3A_339 = tpu.memref_squeeze %dma_wait3A_338 : memref<1x128xi32, #tpu.memory_space<vmem>> -> memref<128xi32, #tpu.memory_space<vmem>>
        %dma_wait3A_340 = arith.constant 0 : i32
        %dma_wait3A_341 = arith.constant 0 : i32
        %dma_wait3A_342 = tpu.memref_slice %arg4[%dma_wait3A_340, %dma_wait3A_341] : memref<100000x128xf32, #tpu.memory_space<hbm>> -> memref<100000x128xf32, #tpu.memory_space<hbm>>
        tpu.wait_indirect_dma semaphore(%arg8 : memref<!tpu.dma_semaphore, #tpu.memory_space<semaphore_mem>>) src(%dma_wait3A_342 : memref<100000x128xf32, #tpu.memory_space<hbm>>) dst(%dma_wait3A_332 : memref<128x128xf32, #tpu.memory_space<vmem>>)
        %dma_wait3A_343 = arith.constant 0 : i32
        %dma_wait3A_344 = arith.constant 0 : i32
        %dma_wait3A_345 = arith.constant 0 : i32
        %dma_wait3A_346 = tpu.memref_slice %run_scoped3A_12[%rem3A_297, %dma_wait3A_344, %dma_wait3A_345] : memref<2x128x128xf32, #tpu.memory_space<vmem>> -> memref<1x128x128xf32, #tpu.memory_space<vmem>>
        %dma_wait3A_347 = tpu.memref_squeeze %dma_wait3A_346 : memref<1x128x128xf32, #tpu.memory_space<vmem>> -> memref<128x128xf32, #tpu.memory_space<vmem>>
        %dma_wait3A_348 = arith.constant 0 : i32
        %dma_wait3A_349 = arith.constant 0 : i32
        %dma_wait3A_350 = tpu.memref_slice %run_scoped3A_8[%rem3A_293, %dma_wait3A_348, %dma_wait3A_349] : memref<2x1x128xi32, #tpu.memory_space<vmem>> -> memref<1x1x128xi32, #tpu.memory_space<vmem>>
        %dma_wait3A_351 = tpu.memref_squeeze %dma_wait3A_350 : memref<1x1x128xi32, #tpu.memory_space<vmem>> -> memref<1x128xi32, #tpu.memory_space<vmem>>
        %dma_wait3A_352 = arith.constant 0 : i32
        %dma_wait3A_353 = tpu.memref_slice %dma_wait3A_351[%dma_wait3A_343, %dma_wait3A_352] : memref<1x128xi32, #tpu.memory_space<vmem>> -> memref<1x128xi32, #tpu.memory_space<vmem>>
        %dma_wait3A_354 = tpu.memref_squeeze %dma_wait3A_353 : memref<1x128xi32, #tpu.memory_space<vmem>> -> memref<128xi32, #tpu.memory_space<vmem>>
        %dma_wait3A_355 = arith.constant 0 : i32
        %dma_wait3A_356 = arith.constant 0 : i32
        %dma_wait3A_357 = tpu.memref_slice %arg5[%dma_wait3A_355, %dma_wait3A_356] : memref<100000x128xf32, #tpu.memory_space<hbm>> -> memref<100000x128xf32, #tpu.memory_space<hbm>>
        tpu.wait_indirect_dma semaphore(%arg9 : memref<!tpu.dma_semaphore, #tpu.memory_space<semaphore_mem>>) src(%dma_wait3A_357 : memref<100000x128xf32, #tpu.memory_space<hbm>>) dst(%dma_wait3A_347 : memref<128x128xf32, #tpu.memory_space<vmem>>)
        "tpu.trace_stop"() : () -> ()
        %ne3A_358 = arith.cmpi ne, %add3A_185, %add3A_203 : i32
        %or3A_359 = arith.constant false
        %or3A_360 = arith.ori %or3A_359, %ne3A_358 : i1
        %or3A_361 = arith.ori %or3A_360, %eq3A_184 : i1
        %convert_element_type3A_362 = arith.extui %or3A_361 : i1 to i32
        %cond3A_363 = arith.constant 0 : i32
        %cond3A_364 = arith.cmpi ne, %convert_element_type3A_362, %cond3A_363 : i32
        scf.if %cond3A_364 {
        } else {
        }
        %and3A_365 = arith.constant false
        %and3A_366 = arith.andi %or3A_361, %and3A_365 : i1
        %ne3A_367 = arith.cmpi ne, %add3A_185, %add3A_203 : i32
        %or3A_368 = arith.constant false
        %or3A_369 = arith.ori %or3A_368, %ne3A_367 : i1
        %or3A_370 = arith.ori %or3A_369, %eq3A_184 : i1
        %convert_element_type3A_371 = arith.extui %or3A_370 : i1 to i32
        %cond3A_372 = arith.constant 0 : i32
        %cond3A_373 = arith.cmpi ne, %convert_element_type3A_371, %cond3A_372 : i32
        scf.if %cond3A_373 {
        } else {
        }
        %and3A_374 = arith.constant false
        %and3A_375 = arith.andi %or3A_370, %and3A_374 : i1
        %ne3A_376 = arith.cmpi ne, %add3A_185, %add3A_203 : i32
        %or3A_377 = arith.constant false
        %or3A_378 = arith.ori %or3A_377, %ne3A_376 : i1
        %or3A_379 = arith.constant false
        %or3A_380 = arith.ori %or3A_378, %or3A_379 : i1
        %or3A_381 = arith.ori %or3A_380, %eq3A_184 : i1
        %convert_element_type3A_382 = arith.extui %or3A_381 : i1 to i32
        %cond3A_383 = arith.constant 0 : i32
        %cond3A_384 = arith.cmpi ne, %convert_element_type3A_382, %cond3A_383 : i32
        scf.if %cond3A_384 {
          "tpu.trace_start"() <{level = 10 : i32, message = "ep_copy_out"}> : () -> ()
          %rem3A_480 = arith.constant 2 : i32
          %rem3A_481 = arith.remui %scan3A_176, %rem3A_480 : i32
          %mul3A_482 = arith.constant 128 : i32
          %mul3A_483 = arith.muli %mul3A_482, %add3A_185 : i32
          %dma_start3A_484 = arith.constant 0 : i32
          %dma_start3A_485 = arith.constant 0 : i32
          %dma_start3A_486 = tpu.memref_slice %run_scoped3A_10[%rem3A_481, %dma_start3A_484, %dma_start3A_485] : memref<2x128x128xf32, #tpu.memory_space<vmem>> -> memref<1x128x128xf32, #tpu.memory_space<vmem>>
          %dma_start3A_487 = tpu.memref_squeeze %dma_start3A_486 : memref<1x128x128xf32, #tpu.memory_space<vmem>> -> memref<128x128xf32, #tpu.memory_space<vmem>>
          %dma_start3A_488 = arith.constant 0 : i32
          %dma_start3A_489 = tpu.memref_slice %arg6[%mul3A_483, %dma_start3A_488] : memref<16384x128xf32, #tpu.memory_space<hbm>> -> memref<128x128xf32, #tpu.memory_space<hbm>>
          %dma_start3A_490 = tpu.memref_slice %run_scoped3A_11[%rem3A_481] : memref<2x!tpu.dma_semaphore, #tpu.memory_space<semaphore_mem>> -> memref<1x!tpu.dma_semaphore, #tpu.memory_space<semaphore_mem>>
          %dma_start3A_491 = tpu.memref_squeeze %dma_start3A_490 : memref<1x!tpu.dma_semaphore, #tpu.memory_space<semaphore_mem>> -> memref<!tpu.dma_semaphore, #tpu.memory_space<semaphore_mem>>
          %dma_start3A_492 = arith.constant 0 : i32
          %dma_start3A_493 = tpu.memref_slice %arg6[%mul3A_483, %dma_start3A_492] : memref<16384x128xf32, #tpu.memory_space<hbm>> -> memref<128x128xf32, #tpu.memory_space<hbm>>
          %dma_start3A_494 = arith.constant 0 : i32
          %dma_start3A_495 = arith.constant 0 : i32
          %dma_start3A_496 = tpu.memref_slice %run_scoped3A_10[%rem3A_481, %dma_start3A_494, %dma_start3A_495] : memref<2x128x128xf32, #tpu.memory_space<vmem>> -> memref<1x128x128xf32, #tpu.memory_space<vmem>>
          %dma_start3A_497 = tpu.memref_squeeze %dma_start3A_496 : memref<1x128x128xf32, #tpu.memory_space<vmem>> -> memref<128x128xf32, #tpu.memory_space<vmem>>
          tpu.enqueue_dma source(%dma_start3A_497 : memref<128x128xf32, #tpu.memory_space<vmem>>) target(%dma_start3A_493 : memref<128x128xf32, #tpu.memory_space<hbm>>) target_semaphore(%dma_start3A_491 : memref<!tpu.dma_semaphore, #tpu.memory_space<semaphore_mem>>)
          "tpu.trace_stop"() : () -> ()
        } else {
        }
        %and3A_385 = arith.constant true
        %and3A_386 = arith.andi %or3A_381, %and3A_385 : i1
        %add3A_387 = arith.constant 1 : i32
        %add3A_388 = arith.addi %scan3A_176, %add3A_387 : i32
        %select_n3A_389 = arith.select %and3A_386, %add3A_388, %scan3A_176 : i32
        %ne3A_390 = arith.cmpi ne, %add3A_185, %add3A_203 : i32
        %or3A_391 = arith.constant false
        %or3A_392 = arith.ori %or3A_391, %ne3A_390 : i1
        %or3A_393 = arith.constant false
        %or3A_394 = arith.ori %or3A_392, %or3A_393 : i1
        %or3A_395 = arith.ori %or3A_394, %eq3A_184 : i1
        %convert_element_type3A_396 = arith.extui %or3A_395 : i1 to i32
        %cond3A_397 = arith.constant 0 : i32
        %cond3A_398 = arith.cmpi ne, %convert_element_type3A_396, %cond3A_397 : i32
        scf.if %cond3A_398 {
          "tpu.trace_start"() <{level = 10 : i32, message = "ep_copy_out"}> : () -> ()
          %rem3A_480 = arith.constant 2 : i32
          %rem3A_481 = arith.remui %scan3A_178, %rem3A_480 : i32
          %mul3A_482 = arith.constant 128 : i32
          %mul3A_483 = arith.muli %mul3A_482, %add3A_185 : i32
          %dma_start3A_484 = arith.constant 0 : i32
          %dma_start3A_485 = arith.constant 0 : i32
          %dma_start3A_486 = tpu.memref_slice %run_scoped3A_12[%rem3A_481, %dma_start3A_484, %dma_start3A_485] : memref<2x128x128xf32, #tpu.memory_space<vmem>> -> memref<1x128x128xf32, #tpu.memory_space<vmem>>
          %dma_start3A_487 = tpu.memref_squeeze %dma_start3A_486 : memref<1x128x128xf32, #tpu.memory_space<vmem>> -> memref<128x128xf32, #tpu.memory_space<vmem>>
          %dma_start3A_488 = arith.constant 0 : i32
          %dma_start3A_489 = tpu.memref_slice %arg7[%mul3A_483, %dma_start3A_488] : memref<16384x128xf32, #tpu.memory_space<hbm>> -> memref<128x128xf32, #tpu.memory_space<hbm>>
          %dma_start3A_490 = tpu.memref_slice %run_scoped3A_13[%rem3A_481] : memref<2x!tpu.dma_semaphore, #tpu.memory_space<semaphore_mem>> -> memref<1x!tpu.dma_semaphore, #tpu.memory_space<semaphore_mem>>
          %dma_start3A_491 = tpu.memref_squeeze %dma_start3A_490 : memref<1x!tpu.dma_semaphore, #tpu.memory_space<semaphore_mem>> -> memref<!tpu.dma_semaphore, #tpu.memory_space<semaphore_mem>>
          %dma_start3A_492 = arith.constant 0 : i32
          %dma_start3A_493 = tpu.memref_slice %arg7[%mul3A_483, %dma_start3A_492] : memref<16384x128xf32, #tpu.memory_space<hbm>> -> memref<128x128xf32, #tpu.memory_space<hbm>>
          %dma_start3A_494 = arith.constant 0 : i32
          %dma_start3A_495 = arith.constant 0 : i32
          %dma_start3A_496 = tpu.memref_slice %run_scoped3A_12[%rem3A_481, %dma_start3A_494, %dma_start3A_495] : memref<2x128x128xf32, #tpu.memory_space<vmem>> -> memref<1x128x128xf32, #tpu.memory_space<vmem>>
          %dma_start3A_497 = tpu.memref_squeeze %dma_start3A_496 : memref<1x128x128xf32, #tpu.memory_space<vmem>> -> memref<128x128xf32, #tpu.memory_space<vmem>>
          tpu.enqueue_dma source(%dma_start3A_497 : memref<128x128xf32, #tpu.memory_space<vmem>>) target(%dma_start3A_493 : memref<128x128xf32, #tpu.memory_space<hbm>>) target_semaphore(%dma_start3A_491 : memref<!tpu.dma_semaphore, #tpu.memory_space<semaphore_mem>>)
          "tpu.trace_stop"() : () -> ()
        } else {
        }
        %and3A_399 = arith.constant true
        %and3A_400 = arith.andi %or3A_395, %and3A_399 : i1
        %add3A_401 = arith.constant 1 : i32
        %add3A_402 = arith.addi %scan3A_178, %add3A_401 : i32
        %select_n3A_403 = arith.select %and3A_400, %add3A_402, %scan3A_178 : i32
        %ne3A_404 = arith.cmpi ne, %add3A_185, %add3A_194 : i32
        %or3A_405 = arith.constant false
        %or3A_406 = arith.ori %or3A_405, %ne3A_404 : i1
        %not3A_407 = arith.constant true
        %not3A_408 = arith.xori %eq3A_182, %not3A_407 : i1
        %and3A_409 = arith.andi %or3A_406, %not3A_408 : i1
        %convert_element_type3A_410 = arith.extui %and3A_409 : i1 to i32
        %cond3A_411 = arith.constant 0 : i32
        %cond3A_412 = arith.cmpi ne, %convert_element_type3A_410, %cond3A_411 : i32
        scf.if %cond3A_412 {
        } else {
        }
        %and3A_413 = arith.constant false
        %and3A_414 = arith.andi %and3A_409, %and3A_413 : i1
        %ne3A_415 = arith.cmpi ne, %add3A_185, %add3A_194 : i32
        %or3A_416 = arith.constant false
        %or3A_417 = arith.ori %or3A_416, %ne3A_415 : i1
        %not3A_418 = arith.constant true
        %not3A_419 = arith.xori %eq3A_182, %not3A_418 : i1
        %and3A_420 = arith.andi %or3A_417, %not3A_419 : i1
        %convert_element_type3A_421 = arith.extui %and3A_420 : i1 to i32
        %cond3A_422 = arith.constant 0 : i32
        %cond3A_423 = arith.cmpi ne, %convert_element_type3A_421, %cond3A_422 : i32
        scf.if %cond3A_423 {
        } else {
        }
        %and3A_424 = arith.constant false
        %and3A_425 = arith.andi %and3A_420, %and3A_424 : i1
        %ne3A_426 = arith.cmpi ne, %add3A_185, %add3A_194 : i32
        %or3A_427 = arith.constant false
        %or3A_428 = arith.ori %or3A_427, %ne3A_426 : i1
        %or3A_429 = arith.constant false
        %or3A_430 = arith.ori %or3A_428, %or3A_429 : i1
        %not3A_431 = arith.constant true
        %not3A_432 = arith.xori %eq3A_182, %not3A_431 : i1
        %and3A_433 = arith.andi %or3A_430, %not3A_432 : i1
        %convert_element_type3A_434 = arith.extui %and3A_433 : i1 to i32
        %cond3A_435 = arith.constant 0 : i32
        %cond3A_436 = arith.cmpi ne, %convert_element_type3A_434, %cond3A_435 : i32
        scf.if %cond3A_436 {
          "tpu.trace_start"() <{level = 10 : i32, message = "ep_wait_out"}> : () -> ()
          %rem3A_480 = arith.constant 2 : i32
          %rem3A_481 = arith.remui %scan3A_177, %rem3A_480 : i32
          %mul3A_482 = arith.constant 128 : i32
          %mul3A_483 = arith.muli %mul3A_482, %add3A_194 : i32
          %dma_wait3A_484 = arith.constant 0 : i32
          %dma_wait3A_485 = arith.constant 0 : i32
          %dma_wait3A_486 = tpu.memref_slice %run_scoped3A_10[%rem3A_481, %dma_wait3A_484, %dma_wait3A_485] : memref<2x128x128xf32, #tpu.memory_space<vmem>> -> memref<1x128x128xf32, #tpu.memory_space<vmem>>
          %dma_wait3A_487 = tpu.memref_squeeze %dma_wait3A_486 : memref<1x128x128xf32, #tpu.memory_space<vmem>> -> memref<128x128xf32, #tpu.memory_space<vmem>>
          %dma_wait3A_488 = arith.constant 0 : i32
          %dma_wait3A_489 = tpu.memref_slice %arg6[%mul3A_483, %dma_wait3A_488] : memref<16384x128xf32, #tpu.memory_space<hbm>> -> memref<128x128xf32, #tpu.memory_space<hbm>>
          %dma_wait3A_490 = tpu.memref_slice %run_scoped3A_11[%rem3A_481] : memref<2x!tpu.dma_semaphore, #tpu.memory_space<semaphore_mem>> -> memref<1x!tpu.dma_semaphore, #tpu.memory_space<semaphore_mem>>
          %dma_wait3A_491 = tpu.memref_squeeze %dma_wait3A_490 : memref<1x!tpu.dma_semaphore, #tpu.memory_space<semaphore_mem>> -> memref<!tpu.dma_semaphore, #tpu.memory_space<semaphore_mem>>
          %dma_wait3A_492 = arith.constant 0 : i32
          %dma_wait3A_493 = tpu.memref_slice %arg6[%mul3A_483, %dma_wait3A_492] : memref<16384x128xf32, #tpu.memory_space<hbm>> -> memref<128x128xf32, #tpu.memory_space<hbm>>
          %dma_wait3A_494 = arith.constant 0 : i32
          %dma_wait3A_495 = arith.constant 0 : i32
          %dma_wait3A_496 = tpu.memref_slice %run_scoped3A_10[%rem3A_481, %dma_wait3A_494, %dma_wait3A_495] : memref<2x128x128xf32, #tpu.memory_space<vmem>> -> memref<1x128x128xf32, #tpu.memory_space<vmem>>
          %dma_wait3A_497 = tpu.memref_squeeze %dma_wait3A_496 : memref<1x128x128xf32, #tpu.memory_space<vmem>> -> memref<128x128xf32, #tpu.memory_space<vmem>>
          tpu.wait_dma2 semaphore(%dma_wait3A_491 : memref<!tpu.dma_semaphore, #tpu.memory_space<semaphore_mem>>) src(%dma_wait3A_497 : memref<128x128xf32, #tpu.memory_space<vmem>>) dst(%dma_wait3A_493 : memref<128x128xf32, #tpu.memory_space<hbm>>)
          "tpu.trace_stop"() : () -> ()
        } else {
        }
        %and3A_437 = arith.constant true
        %and3A_438 = arith.andi %and3A_433, %and3A_437 : i1
        %add3A_439 = arith.constant 1 : i32
        %add3A_440 = arith.addi %scan3A_177, %add3A_439 : i32
        %select_n3A_441 = arith.select %and3A_438, %add3A_440, %scan3A_177 : i32
        %ne3A_442 = arith.cmpi ne, %add3A_185, %add3A_194 : i32
        %or3A_443 = arith.constant false
        %or3A_444 = arith.ori %or3A_443, %ne3A_442 : i1
        %or3A_445 = arith.constant false
        %or3A_446 = arith.ori %or3A_444, %or3A_445 : i1
        %not3A_447 = arith.constant true
        %not3A_448 = arith.xori %eq3A_182, %not3A_447 : i1
        %and3A_449 = arith.andi %or3A_446, %not3A_448 : i1
        %convert_element_type3A_450 = arith.extui %and3A_449 : i1 to i32
        %cond3A_451 = arith.constant 0 : i32
        %cond3A_452 = arith.cmpi ne, %convert_element_type3A_450, %cond3A_451 : i32
        scf.if %cond3A_452 {
          "tpu.trace_start"() <{level = 10 : i32, message = "ep_wait_out"}> : () -> ()
          %rem3A_480 = arith.constant 2 : i32
          %rem3A_481 = arith.remui %scan3A_179, %rem3A_480 : i32
          %mul3A_482 = arith.constant 128 : i32
          %mul3A_483 = arith.muli %mul3A_482, %add3A_194 : i32
          %dma_wait3A_484 = arith.constant 0 : i32
          %dma_wait3A_485 = arith.constant 0 : i32
          %dma_wait3A_486 = tpu.memref_slice %run_scoped3A_12[%rem3A_481, %dma_wait3A_484, %dma_wait3A_485] : memref<2x128x128xf32, #tpu.memory_space<vmem>> -> memref<1x128x128xf32, #tpu.memory_space<vmem>>
          %dma_wait3A_487 = tpu.memref_squeeze %dma_wait3A_486 : memref<1x128x128xf32, #tpu.memory_space<vmem>> -> memref<128x128xf32, #tpu.memory_space<vmem>>
          %dma_wait3A_488 = arith.constant 0 : i32
          %dma_wait3A_489 = tpu.memref_slice %arg7[%mul3A_483, %dma_wait3A_488] : memref<16384x128xf32, #tpu.memory_space<hbm>> -> memref<128x128xf32, #tpu.memory_space<hbm>>
          %dma_wait3A_490 = tpu.memref_slice %run_scoped3A_13[%rem3A_481] : memref<2x!tpu.dma_semaphore, #tpu.memory_space<semaphore_mem>> -> memref<1x!tpu.dma_semaphore, #tpu.memory_space<semaphore_mem>>
          %dma_wait3A_491 = tpu.memref_squeeze %dma_wait3A_490 : memref<1x!tpu.dma_semaphore, #tpu.memory_space<semaphore_mem>> -> memref<!tpu.dma_semaphore, #tpu.memory_space<semaphore_mem>>
          %dma_wait3A_492 = arith.constant 0 : i32
          %dma_wait3A_493 = tpu.memref_slice %arg7[%mul3A_483, %dma_wait3A_492] : memref<16384x128xf32, #tpu.memory_space<hbm>> -> memref<128x128xf32, #tpu.memory_space<hbm>>
          %dma_wait3A_494 = arith.constant 0 : i32
          %dma_wait3A_495 = arith.constant 0 : i32
          %dma_wait3A_496 = tpu.memref_slice %run_scoped3A_12[%rem3A_481, %dma_wait3A_494, %dma_wait3A_495] : memref<2x128x128xf32, #tpu.memory_space<vmem>> -> memref<1x128x128xf32, #tpu.memory_space<vmem>>
          %dma_wait3A_497 = tpu.memref_squeeze %dma_wait3A_496 : memref<1x128x128xf32, #tpu.memory_space<vmem>> -> memref<128x128xf32, #tpu.memory_space<vmem>>
          tpu.wait_dma2 semaphore(%dma_wait3A_491 : memref<!tpu.dma_semaphore, #tpu.memory_space<semaphore_mem>>) src(%dma_wait3A_497 : memref<128x128xf32, #tpu.memory_space<vmem>>) dst(%dma_wait3A_493 : memref<128x128xf32, #tpu.memory_space<hbm>>)
          "tpu.trace_stop"() : () -> ()
        } else {
        }
        %and3A_453 = arith.constant true
        %and3A_454 = arith.andi %and3A_449, %and3A_453 : i1
        %add3A_455 = arith.constant 1 : i32
        %add3A_456 = arith.addi %scan3A_179, %add3A_455 : i32
        %select_n3A_457 = arith.select %and3A_454, %add3A_456, %scan3A_179 : i32
        %ne3A_458 = arith.cmpi ne, %add3A_185, %add3A_203 : i32
        %or3A_459 = arith.constant false
        %or3A_460 = arith.ori %or3A_459, %ne3A_458 : i1
        %or3A_461 = arith.ori %or3A_460, %eq3A_184 : i1
        %add3A_462 = arith.constant 1 : i32
        %add3A_463 = arith.addi %scan3A_173, %add3A_462 : i32
        %select_n3A_464 = arith.select %or3A_461, %add3A_463, %scan3A_173 : i32
        %ne3A_465 = arith.cmpi ne, %add3A_185, %add3A_203 : i32
        %or3A_466 = arith.constant false
        %or3A_467 = arith.ori %or3A_466, %ne3A_465 : i1
        %or3A_468 = arith.ori %or3A_467, %eq3A_184 : i1
        %add3A_469 = arith.constant 1 : i32
        %add3A_470 = arith.addi %scan3A_175, %add3A_469 : i32
        %select_n3A_471 = arith.select %or3A_468, %add3A_470, %scan3A_175 : i32
        %add3A_472 = arith.constant 1 : i32
        %add3A_473 = arith.addi %scan3A_180, %add3A_472 : i32
        %select_n3A_474 = arith.constant true
        %select_n3A_475 = arith.select %select_n3A_474, %add3A_473, %scan3A_180 : i32
        %eq3A_476 = arith.constant 4 : i32
        %eq3A_477 = arith.cmpi eq, %select_n3A_475, %eq3A_476 : i32
        %select_n3A_478 = arith.constant 0 : i32
        %select_n3A_479 = arith.select %eq3A_477, %select_n3A_478, %select_n3A_475 : i32
        scf.yield %select_n3A_221, %select_n3A_464, %select_n3A_237, %select_n3A_471, %select_n3A_389, %select_n3A_441, %select_n3A_403, %select_n3A_457, %select_n3A_479 : i32, i32, i32, i32, i32, i32, i32, i32, i32
      }
      %scan3A_100 = arith.constant 4 : i32
      %sub3A = arith.constant 1 : i32
      %sub3A_101 = arith.subi %scan3A_99#8, %sub3A : i32
      %select_n3A_102 = arith.constant true
      %select_n3A_103 = arith.select %select_n3A_102, %sub3A_101, %scan3A_99#8 : i32
      %eq3A_104 = arith.constant -1 : i32
      %eq3A_105 = arith.cmpi eq, %select_n3A_103, %eq3A_104 : i32
      %select_n3A_106 = arith.constant 3 : i32
      %select_n3A_107 = arith.select %eq3A_105, %select_n3A_106, %select_n3A_103 : i32
      %add3A_108 = arith.addi %select_n3A_107, %mul3A_6 : i32
      %sub3A_109 = arith.constant 1 : i32
      %sub3A_110 = arith.subi %select_n3A_107, %sub3A_109 : i32
      %select_n3A_111 = arith.constant true
      %select_n3A_112 = arith.select %select_n3A_111, %sub3A_110, %select_n3A_107 : i32
      %eq3A_113 = arith.constant -1 : i32
      %eq3A_114 = arith.cmpi eq, %select_n3A_112, %eq3A_113 : i32
      %select_n3A_115 = arith.constant 3 : i32
      %select_n3A_116 = arith.select %eq3A_114, %select_n3A_115, %select_n3A_112 : i32
      %add3A_117 = arith.addi %select_n3A_116, %mul3A_6 : i32
      %add3A_118 = arith.constant 1 : i32
      %add3A_119 = arith.addi %select_n3A_107, %add3A_118 : i32
      %select_n3A_120 = arith.constant true
      %select_n3A_121 = arith.select %select_n3A_120, %add3A_119, %select_n3A_107 : i32
      %eq3A_122 = arith.constant 4 : i32
      %eq3A_123 = arith.cmpi eq, %select_n3A_121, %eq3A_122 : i32
      %select_n3A_124 = arith.constant 0 : i32
      %select_n3A_125 = arith.select %eq3A_123, %select_n3A_124, %select_n3A_121 : i32
      %add3A_126 = arith.addi %select_n3A_125, %mul3A_6 : i32
      %add3A_127 = arith.constant 1 : i32
      %add3A_128 = arith.addi %select_n3A_125, %add3A_127 : i32
      %select_n3A_129 = arith.constant true
      %select_n3A_130 = arith.select %select_n3A_129, %add3A_128, %select_n3A_125 : i32
      %eq3A_131 = arith.constant 4 : i32
      %eq3A_132 = arith.cmpi eq, %select_n3A_130, %eq3A_131 : i32
      %select_n3A_133 = arith.constant 0 : i32
      %select_n3A_134 = arith.select %eq3A_132, %select_n3A_133, %select_n3A_130 : i32
      %add3A_135 = arith.addi %select_n3A_134, %mul3A_6 : i32
      "tpu.trace_start"() <{level = 10 : i32, message = "ep_finalize"}> : () -> ()
      %rem3A_136 = arith.constant 2 : i32
      %rem3A_137 = arith.remui %scan3A_99#5, %rem3A_136 : i32
      %mul3A_138 = arith.constant 128 : i32
      %mul3A_139 = arith.muli %mul3A_138, %add3A_108 : i32
      %dma_wait3A = arith.constant 0 : i32
      %dma_wait3A_140 = arith.constant 0 : i32
      %dma_wait3A_141 = tpu.memref_slice %run_scoped3A_10[%rem3A_137, %dma_wait3A, %dma_wait3A_140] : memref<2x128x128xf32, #tpu.memory_space<vmem>> -> memref<1x128x128xf32, #tpu.memory_space<vmem>>
      %dma_wait3A_142 = tpu.memref_squeeze %dma_wait3A_141 : memref<1x128x128xf32, #tpu.memory_space<vmem>> -> memref<128x128xf32, #tpu.memory_space<vmem>>
      %dma_wait3A_143 = arith.constant 0 : i32
      %dma_wait3A_144 = tpu.memref_slice %arg6[%mul3A_139, %dma_wait3A_143] : memref<16384x128xf32, #tpu.memory_space<hbm>> -> memref<128x128xf32, #tpu.memory_space<hbm>>
      %dma_wait3A_145 = tpu.memref_slice %run_scoped3A_11[%rem3A_137] : memref<2x!tpu.dma_semaphore, #tpu.memory_space<semaphore_mem>> -> memref<1x!tpu.dma_semaphore, #tpu.memory_space<semaphore_mem>>
      %dma_wait3A_146 = tpu.memref_squeeze %dma_wait3A_145 : memref<1x!tpu.dma_semaphore, #tpu.memory_space<semaphore_mem>> -> memref<!tpu.dma_semaphore, #tpu.memory_space<semaphore_mem>>
      %dma_wait3A_147 = arith.constant 0 : i32
      %dma_wait3A_148 = tpu.memref_slice %arg6[%mul3A_139, %dma_wait3A_147] : memref<16384x128xf32, #tpu.memory_space<hbm>> -> memref<128x128xf32, #tpu.memory_space<hbm>>
      %dma_wait3A_149 = arith.constant 0 : i32
      %dma_wait3A_150 = arith.constant 0 : i32
      %dma_wait3A_151 = tpu.memref_slice %run_scoped3A_10[%rem3A_137, %dma_wait3A_149, %dma_wait3A_150] : memref<2x128x128xf32, #tpu.memory_space<vmem>> -> memref<1x128x128xf32, #tpu.memory_space<vmem>>
      %dma_wait3A_152 = tpu.memref_squeeze %dma_wait3A_151 : memref<1x128x128xf32, #tpu.memory_space<vmem>> -> memref<128x128xf32, #tpu.memory_space<vmem>>
      tpu.wait_dma2 semaphore(%dma_wait3A_146 : memref<!tpu.dma_semaphore, #tpu.memory_space<semaphore_mem>>) src(%dma_wait3A_152 : memref<128x128xf32, #tpu.memory_space<vmem>>) dst(%dma_wait3A_148 : memref<128x128xf32, #tpu.memory_space<hbm>>)
      %rem3A_153 = arith.constant 2 : i32
      %rem3A_154 = arith.remui %scan3A_99#7, %rem3A_153 : i32
      %mul3A_155 = arith.constant 128 : i32
      %mul3A_156 = arith.muli %mul3A_155, %add3A_108 : i32
      %dma_wait3A_157 = arith.constant 0 : i32
      %dma_wait3A_158 = arith.constant 0 : i32
      %dma_wait3A_159 = tpu.memref_slice %run_scoped3A_12[%rem3A_154, %dma_wait3A_157, %dma_wait3A_158] : memref<2x128x128xf32, #tpu.memory_space<vmem>> -> memref<1x128x128xf32, #tpu.memory_space<vmem>>
      %dma_wait3A_160 = tpu.memref_squeeze %dma_wait3A_159 : memref<1x128x128xf32, #tpu.memory_space<vmem>> -> memref<128x128xf32, #tpu.memory_space<vmem>>
      %dma_wait3A_161 = arith.constant 0 : i32
      %dma_wait3A_162 = tpu.memref_slice %arg7[%mul3A_156, %dma_wait3A_161] : memref<16384x128xf32, #tpu.memory_space<hbm>> -> memref<128x128xf32, #tpu.memory_space<hbm>>
      %dma_wait3A_163 = tpu.memref_slice %run_scoped3A_13[%rem3A_154] : memref<2x!tpu.dma_semaphore, #tpu.memory_space<semaphore_mem>> -> memref<1x!tpu.dma_semaphore, #tpu.memory_space<semaphore_mem>>
      %dma_wait3A_164 = tpu.memref_squeeze %dma_wait3A_163 : memref<1x!tpu.dma_semaphore, #tpu.memory_space<semaphore_mem>> -> memref<!tpu.dma_semaphore, #tpu.memory_space<semaphore_mem>>
      %dma_wait3A_165 = arith.constant 0 : i32
      %dma_wait3A_166 = tpu.memref_slice %arg7[%mul3A_156, %dma_wait3A_165] : memref<16384x128xf32, #tpu.memory_space<hbm>> -> memref<128x128xf32, #tpu.memory_space<hbm>>
      %dma_wait3A_167 = arith.constant 0 : i32
      %dma_wait3A_168 = arith.constant 0 : i32
      %dma_wait3A_169 = tpu.memref_slice %run_scoped3A_12[%rem3A_154, %dma_wait3A_167, %dma_wait3A_168] : memref<2x128x128xf32, #tpu.memory_space<vmem>> -> memref<1x128x128xf32, #tpu.memory_space<vmem>>
      %dma_wait3A_170 = tpu.memref_squeeze %dma_wait3A_169 : memref<1x128x128xf32, #tpu.memory_space<vmem>> -> memref<128x128xf32, #tpu.memory_space<vmem>>
      tpu.wait_dma2 semaphore(%dma_wait3A_164 : memref<!tpu.dma_semaphore, #tpu.memory_space<semaphore_mem>>) src(%dma_wait3A_170 : memref<128x128xf32, #tpu.memory_space<vmem>>) dst(%dma_wait3A_166 : memref<128x128xf32, #tpu.memory_space<hbm>>)
      "tpu.trace_stop"() : () -> ()
      tpu.yield
    }) : () -> ()
    return
  }
}

module attributes {stable_mosaic.version = 14 : i64} {
  func.func @_tc_mlp_body(%arg0: i32, %arg1: memref<4096x128xf32, #tpu.memory_space<vmem>>, %arg2: memref<4096x128xf32, #tpu.memory_space<vmem>>, %arg3: memref<128x128xf32, #tpu.memory_space<vmem>>, %arg4: memref<128x128xf32, #tpu.memory_space<vmem>>, %arg5: memref<1x128xf32, #tpu.memory_space<vmem>>, %arg6: memref<128x64xf32, #tpu.memory_space<vmem>>, %arg7: memref<1x64xf32, #tpu.memory_space<vmem>>, %arg8: memref<64x32xf32, #tpu.memory_space<vmem>>, %arg9: memref<1x32xf32, #tpu.memory_space<vmem>>, %arg10: memref<32x1xf32, #tpu.memory_space<vmem>>, %arg11: memref<4096xf32, #tpu.memory_space<vmem>>) attributes {dimension_semantics = [#tpu.dimension_semantics<arbitrary>], iteration_bounds = array<i64: 4>, scalar_prefetch = 0 : i64, scratch_operands = 0 : i64, tpu.core_type = #tpu.core_type<tc>, window_params = [{transform_indices = @transform_0, window_bounds = array<i64: 4096, 128>}, {transform_indices = @transform_1, window_bounds = array<i64: 4096, 128>}, {pipeline_mode = #tpu.pipeline_mode<synchronous>, transform_indices = @transform_2, window_bounds = array<i64: 128, 128>}, {pipeline_mode = #tpu.pipeline_mode<synchronous>, transform_indices = @transform_3, window_bounds = array<i64: 128, 128>}, {pipeline_mode = #tpu.pipeline_mode<synchronous>, transform_indices = @transform_4, window_bounds = array<i64: 1, 128>}, {pipeline_mode = #tpu.pipeline_mode<synchronous>, transform_indices = @transform_5, window_bounds = array<i64: 128, 64>}, {pipeline_mode = #tpu.pipeline_mode<synchronous>, transform_indices = @transform_6, window_bounds = array<i64: 1, 64>}, {pipeline_mode = #tpu.pipeline_mode<synchronous>, transform_indices = @transform_7, window_bounds = array<i64: 64, 32>}, {pipeline_mode = #tpu.pipeline_mode<synchronous>, transform_indices = @transform_8, window_bounds = array<i64: 1, 32>}, {pipeline_mode = #tpu.pipeline_mode<synchronous>, transform_indices = @transform_9, window_bounds = array<i64: 32, 1>}, {transform_indices = @transform_10, window_bounds = array<i64: 4096>}]} {
    %get3A = arith.constant 0 : index
    %get3A_0 = arith.constant 0 : index
    %get3A_1 = vector.load %arg1[%get3A, %get3A_0] : memref<4096x128xf32, #tpu.memory_space<vmem>>, vector<4096x128xf32>
    %convert_element_type3A = arith.truncf %get3A_1 : vector<4096x128xf32> to vector<4096x128xbf16>
    %get3A_2 = arith.constant 0 : index
    %get3A_3 = arith.constant 0 : index
    %get3A_4 = vector.load %arg3[%get3A_2, %get3A_3] : memref<128x128xf32, #tpu.memory_space<vmem>>, vector<128x128xf32>
    %convert_element_type3A_5 = arith.truncf %get3A_4 : vector<128x128xf32> to vector<128x128xbf16>
    %dot_general3A = arith.constant dense<0.000000e+00> : vector<4096x128xf32>
    %dot_general3A_6 = tpu.matmul %convert_element_type3A, %convert_element_type3A_5, %dot_general3A {dimension_numbers = #tpu.dot_dimension_numbers<[1], [0], [0], [1], [0, 0, 1, 1], [], []>, transpose_lhs_hint = false} : vector<4096x128xbf16>, vector<128x128xbf16>, vector<4096x128xf32> -> vector<4096x128xf32>
    %get3A_7 = arith.constant 0 : index
    %get3A_8 = arith.constant 0 : index
    %get3A_9 = vector.load %arg2[%get3A_7, %get3A_8] : memref<4096x128xf32, #tpu.memory_space<vmem>>, vector<4096x128xf32>
    %convert_element_type3A_10 = arith.truncf %get3A_9 : vector<4096x128xf32> to vector<4096x128xbf16>
    %get3A_11 = arith.constant 0 : index
    %get3A_12 = arith.constant 0 : index
    %get3A_13 = vector.load %arg4[%get3A_11, %get3A_12] : memref<128x128xf32, #tpu.memory_space<vmem>>, vector<128x128xf32>
    %convert_element_type3A_14 = arith.truncf %get3A_13 : vector<128x128xf32> to vector<128x128xbf16>
    %dot_general3A_15 = arith.constant dense<0.000000e+00> : vector<4096x128xf32>
    %dot_general3A_16 = tpu.matmul %convert_element_type3A_10, %convert_element_type3A_14, %dot_general3A_15 {dimension_numbers = #tpu.dot_dimension_numbers<[1], [0], [0], [1], [0, 0, 1, 1], [], []>, transpose_lhs_hint = false} : vector<4096x128xbf16>, vector<128x128xbf16>, vector<4096x128xf32> -> vector<4096x128xf32>
    %add3A = arith.addf %dot_general3A_6, %dot_general3A_16 : vector<4096x128xf32>
    %get3A_17 = arith.constant 0 : index
    %get3A_18 = arith.constant 0 : index
    %get3A_19 = vector.load %arg5[%get3A_17, %get3A_18] : memref<1x128xf32, #tpu.memory_space<vmem>>, vector<1x128xf32>
    %add3A_20 = vector.broadcast %get3A_19 : vector<1x128xf32> to vector<4096x128xf32>
    %add3A_21 = arith.addf %add3A, %add3A_20 : vector<4096x128xf32>
    %max3A = arith.constant 0.000000e+00 : f32
    %max3A_22 = vector.broadcast %max3A : f32 to vector<4096x128xf32>
    %max3A_23 = arith.maximumf %add3A_21, %max3A_22 : vector<4096x128xf32>
    %convert_element_type3A_24 = arith.truncf %max3A_23 : vector<4096x128xf32> to vector<4096x128xbf16>
    %get3A_25 = arith.constant 0 : index
    %get3A_26 = arith.constant 0 : index
    %get3A_27 = vector.load %arg6[%get3A_25, %get3A_26] : memref<128x64xf32, #tpu.memory_space<vmem>>, vector<128x64xf32>
    %convert_element_type3A_28 = arith.truncf %get3A_27 : vector<128x64xf32> to vector<128x64xbf16>
    %dot_general3A_29 = arith.constant dense<0.000000e+00> : vector<4096x64xf32>
    %dot_general3A_30 = tpu.matmul %convert_element_type3A_24, %convert_element_type3A_28, %dot_general3A_29 {dimension_numbers = #tpu.dot_dimension_numbers<[1], [0], [0], [1], [0, 0, 1, 1], [], []>, transpose_lhs_hint = false} : vector<4096x128xbf16>, vector<128x64xbf16>, vector<4096x64xf32> -> vector<4096x64xf32>
    %get3A_31 = arith.constant 0 : index
    %get3A_32 = arith.constant 0 : index
    %get3A_33 = vector.load %arg7[%get3A_31, %get3A_32] : memref<1x64xf32, #tpu.memory_space<vmem>>, vector<1x64xf32>
    %add3A_34 = vector.broadcast %get3A_33 : vector<1x64xf32> to vector<4096x64xf32>
    %add3A_35 = arith.addf %dot_general3A_30, %add3A_34 : vector<4096x64xf32>
    %max3A_36 = arith.constant 0.000000e+00 : f32
    %max3A_37 = vector.broadcast %max3A_36 : f32 to vector<4096x64xf32>
    %max3A_38 = arith.maximumf %add3A_35, %max3A_37 : vector<4096x64xf32>
    %convert_element_type3A_39 = arith.truncf %max3A_38 : vector<4096x64xf32> to vector<4096x64xbf16>
    %get3A_40 = arith.constant 0 : index
    %get3A_41 = arith.constant 0 : index
    %get3A_42 = vector.load %arg8[%get3A_40, %get3A_41] : memref<64x32xf32, #tpu.memory_space<vmem>>, vector<64x32xf32>
    %convert_element_type3A_43 = arith.truncf %get3A_42 : vector<64x32xf32> to vector<64x32xbf16>
    %dot_general3A_44 = arith.constant dense<0.000000e+00> : vector<4096x32xf32>
    %dot_general3A_45 = tpu.matmul %convert_element_type3A_39, %convert_element_type3A_43, %dot_general3A_44 {dimension_numbers = #tpu.dot_dimension_numbers<[1], [0], [0], [1], [0, 0, 1, 1], [], []>, transpose_lhs_hint = false} : vector<4096x64xbf16>, vector<64x32xbf16>, vector<4096x32xf32> -> vector<4096x32xf32>
    %get3A_46 = arith.constant 0 : index
    %get3A_47 = arith.constant 0 : index
    %get3A_48 = vector.load %arg9[%get3A_46, %get3A_47] : memref<1x32xf32, #tpu.memory_space<vmem>>, vector<1x32xf32>
    %add3A_49 = vector.broadcast %get3A_48 : vector<1x32xf32> to vector<4096x32xf32>
    %add3A_50 = arith.addf %dot_general3A_45, %add3A_49 : vector<4096x32xf32>
    %max3A_51 = arith.constant 0.000000e+00 : f32
    %max3A_52 = vector.broadcast %max3A_51 : f32 to vector<4096x32xf32>
    %max3A_53 = arith.maximumf %add3A_50, %max3A_52 : vector<4096x32xf32>
    %get3A_54 = arith.constant 0 : index
    %get3A_55 = arith.constant 0 : index
    %get3A_56 = vector.load %arg10[%get3A_54, %get3A_55] : memref<32x1xf32, #tpu.memory_space<vmem>>, vector<32x1xf32>
    %dot_general3A_57 = arith.constant dense<0.000000e+00> : vector<4096x1xf32>
    %dot_general3A_58 = tpu.matmul %max3A_53, %get3A_56, %dot_general3A_57 {dimension_numbers = #tpu.dot_dimension_numbers<[1], [0], [0], [1], [0, 0, 1, 1], [], []>, transpose_lhs_hint = false} : vector<4096x32xf32>, vector<32x1xf32>, vector<4096x1xf32> -> vector<4096x1xf32>
    %squeeze3A = vector.shape_cast %dot_general3A_58 : vector<4096x1xf32> to vector<4096xf32>
    %swap3A = arith.constant 0 : index
    %swap3A_59 = vector.load %arg11[%swap3A] : memref<4096xf32, #tpu.memory_space<vmem>>, vector<4096xf32>
    tpu.vector_store %arg11[%swap3A], %squeeze3A {strides = array<i32>} : memref<4096xf32, #tpu.memory_space<vmem>>, vector<4096xf32>,
    return
  }
  func.func @transform_0(%arg0: i32) -> (i32, i32) {
    %c0_i32 = arith.constant 0 : i32
    %c0_i32_0 = arith.constant 0 : i32
    return %arg0, %c0_i32 : i32, i32
  }
  func.func @transform_1(%arg0: i32) -> (i32, i32) {
    %c0_i32 = arith.constant 0 : i32
    %c0_i32_0 = arith.constant 0 : i32
    return %arg0, %c0_i32 : i32, i32
  }
  func.func @transform_2(%arg0: i32) -> (i32, i32) {
    %c0_i32 = arith.constant 0 : i32
    %c0_i32_0 = arith.constant 0 : i32
    %c0_i32_1 = arith.constant 0 : i32
    return %c0_i32, %c0_i32_0 : i32, i32
  }
  func.func @transform_3(%arg0: i32) -> (i32, i32) {
    %c0_i32 = arith.constant 0 : i32
    %c0_i32_0 = arith.constant 0 : i32
    %c0_i32_1 = arith.constant 0 : i32
    return %c0_i32, %c0_i32_0 : i32, i32
  }
  func.func @transform_4(%arg0: i32) -> (i32, i32) {
    %c0_i32 = arith.constant 0 : i32
    %c0_i32_0 = arith.constant 0 : i32
    %c0_i32_1 = arith.constant 0 : i32
    return %c0_i32, %c0_i32_0 : i32, i32
  }
  func.func @transform_5(%arg0: i32) -> (i32, i32) {
    %c0_i32 = arith.constant 0 : i32
    %c0_i32_0 = arith.constant 0 : i32
    %c0_i32_1 = arith.constant 0 : i32
    return %c0_i32, %c0_i32_0 : i32, i32
  }
  func.func @transform_6(%arg0: i32) -> (i32, i32) {
    %c0_i32 = arith.constant 0 : i32
    %c0_i32_0 = arith.constant 0 : i32
    %c0_i32_1 = arith.constant 0 : i32
    return %c0_i32, %c0_i32_0 : i32, i32
  }
  func.func @transform_7(%arg0: i32) -> (i32, i32) {
    %c0_i32 = arith.constant 0 : i32
    %c0_i32_0 = arith.constant 0 : i32
    %c0_i32_1 = arith.constant 0 : i32
    return %c0_i32, %c0_i32_0 : i32, i32
  }
  func.func @transform_8(%arg0: i32) -> (i32, i32) {
    %c0_i32 = arith.constant 0 : i32
    %c0_i32_0 = arith.constant 0 : i32
    %c0_i32_1 = arith.constant 0 : i32
    return %c0_i32, %c0_i32_0 : i32, i32
  }
  func.func @transform_9(%arg0: i32) -> (i32, i32) {
    %c0_i32 = arith.constant 0 : i32
    %c0_i32_0 = arith.constant 0 : i32
    %c0_i32_1 = arith.constant 0 : i32
    return %c0_i32, %c0_i32_0 : i32, i32
  }
  func.func @transform_10(%arg0: i32) -> i32 {
    %c0_i32 = arith.constant 0 : i32
    return %arg0 : i32
  }
}

module attributes {stable_mosaic.version = 14 : i64} {
  func.func @_tc_final_body(%arg0: i32, %arg1: memref<4096x32xf32, #tpu.memory_space<vmem>>, %arg2: memref<4096xf32, #tpu.memory_space<vmem>>, %arg3: memref<32x1xf32, #tpu.memory_space<vmem>>, %arg4: memref<1x1xf32, #tpu.memory_space<vmem>>, %arg5: memref<4096xf32, #tpu.memory_space<vmem>>) attributes {dimension_semantics = [#tpu.dimension_semantics<arbitrary>], iteration_bounds = array<i64: 4>, scalar_prefetch = 0 : i64, scratch_operands = 0 : i64, tpu.core_type = #tpu.core_type<tc>, window_params = [{transform_indices = @transform_0, window_bounds = array<i64: 4096, 32>}, {transform_indices = @transform_1, window_bounds = array<i64: 4096>}, {pipeline_mode = #tpu.pipeline_mode<synchronous>, transform_indices = @transform_2, window_bounds = array<i64: 32, 1>}, {pipeline_mode = #tpu.pipeline_mode<synchronous>, transform_indices = @transform_3, window_bounds = array<i64: 1, 1>}, {transform_indices = @transform_4, window_bounds = array<i64: 4096>}]} {
    %get3A = arith.constant 0 : index
    %get3A_0 = arith.constant 0 : index
    %get3A_1 = vector.load %arg1[%get3A, %get3A_0] : memref<4096x32xf32, #tpu.memory_space<vmem>>, vector<4096x32xf32>
    %get3A_2 = arith.constant 0 : index
    %get3A_3 = arith.constant 0 : index
    %get3A_4 = vector.load %arg3[%get3A_2, %get3A_3] : memref<32x1xf32, #tpu.memory_space<vmem>>, vector<32x1xf32>
    %dot_general3A = arith.constant dense<0.000000e+00> : vector<4096x1xf32>
    %dot_general3A_5 = tpu.matmul %get3A_1, %get3A_4, %dot_general3A {dimension_numbers = #tpu.dot_dimension_numbers<[1], [0], [0], [1], [0, 0, 1, 1], [], []>, transpose_lhs_hint = false} : vector<4096x32xf32>, vector<32x1xf32>, vector<4096x1xf32> -> vector<4096x1xf32>
    %squeeze3A = vector.shape_cast %dot_general3A_5 : vector<4096x1xf32> to vector<4096xf32>
    %get3A_6 = arith.constant 0 : index
    %get3A_7 = vector.load %arg2[%get3A_6] : memref<4096xf32, #tpu.memory_space<vmem>>, vector<4096xf32>
    %add3A = arith.addf %squeeze3A, %get3A_7 : vector<4096xf32>
    %get3A_8 = arith.constant 0 : index
    %get3A_9 = arith.constant 0 : index
    %get3A_10 = vector.load %arg4[%get3A_8, %get3A_9] : memref<1x1xf32, #tpu.memory_space<vmem>>, vector<1x1xf32>
    %get3A_11 = vector.extract %get3A_10[0, 0] : f32 from vector<1x1xf32>
    %add3A_12 = vector.broadcast %get3A_11 : f32 to vector<4096xf32>
    %add3A_13 = arith.addf %add3A, %add3A_12 : vector<4096xf32>
    %swap3A = arith.constant 0 : index
    %swap3A_14 = vector.load %arg5[%swap3A] : memref<4096xf32, #tpu.memory_space<vmem>>, vector<4096xf32>
    tpu.vector_store %arg5[%swap3A], %add3A_13 {strides = array<i32>} : memref<4096xf32, #tpu.memory_space<vmem>>, vector<4096xf32>,
    return
  }
  func.func @transform_0(%arg0: i32) -> (i32, i32) {
    %c0_i32 = arith.constant 0 : i32
    %c0_i32_0 = arith.constant 0 : i32
    return %arg0, %c0_i32 : i32, i32
  }
  func.func @transform_1(%arg0: i32) -> i32 {
    %c0_i32 = arith.constant 0 : i32
    return %arg0 : i32
  }
  func.func @transform_2(%arg0: i32) -> (i32, i32) {
    %c0_i32 = arith.constant 0 : i32
    %c0_i32_0 = arith.constant 0 : i32
    %c0_i32_1 = arith.constant 0 : i32
    return %c0_i32, %c0_i32_0 : i32, i32
  }
  func.func @transform_3(%arg0: i32) -> (i32, i32) {
    %c0_i32 = arith.constant 0 : i32
    %c0_i32_0 = arith.constant 0 : i32
    %c0_i32_1 = arith.constant 0 : i32
    return %c0_i32, %c0_i32_0 : i32, i32
  }
  func.func @transform_4(%arg0: i32) -> i32 {
    %c0_i32 = arith.constant 0 : i32
    return %arg0 : i32
  }
}

</mosaic_0001>

<sc_bundles>
// kernel: kernel.6.cloned.1.call-start
scs
__scs_entry_jumppad:
0x0: {  	(pc) =	sbr.rel $0x88, $3  }
0x1: {  	(tag) =	ssettag $0x0;
	lr =	simm.s32 $0x1  }
0x2: {  	[smem:$0x3F94] =	sst lr;
	_ =	strace $0xD0000000  }
0x3: {  	_ = 	snop  }
0x4: {  	_ = 	snop  }
0x5: {  	_ = 	snop  }
0x6: {  	_ = 	snop  }
0x7: {  	_ = 	snop  }
__scs_overlays_trampoline_lowered:
0x8: {  	[smem:$0x3FA3] =	sst s0  }
0x9: {  	[smem:$0x3FA4] =	sst s1  }
0xa: {  	[smem:$0x3FA5] =	sst s2  }
0xb: {  	[smem:$0x3FA6] =	sst s3  }
0xc: {  	[smem:$0x3FA7] =	sst s4  }
0xd: {  	[smem:$0x3FA8] =	sst s5  }
0xe: {  	[smem:$0x3FA9] =	sst s6  }
0xf: {  	[smem:$0x3FAA] =	sst s7  }
0x10: {  	[smem:$0x3FAB] =	sst s8  }
0x11: {  	[smem:$0x3FAC] =	sst s9;
	s0 =	simm.s32 @!p0 $0x0  }
0x12: {  	s1 =	sld [smem:$0x3F92];
	s0 =	simm.s32 @p0 $0x1  }
0x13: {  	[smem:$0x3FAD] =	sst s0;
	s0 =	simm.s32 @!p1 $0x0  }
0x14: {  	s2 =	sld [smem:$0x3F91];
	s0 =	simm.s32 @p1 $0x1  }
0x15: {  	[smem:$0x3FAE] =	sst s0;
	s0 =	simm.s32 @!p2 $0x0  }
0x16: {  	s3 =	sld [smem:$0x3FDB];
	s0 =	simm.s32 @p2 $0x1  }
0x17: {  	s4 =	simm.s32 $0x1BF5;
	[smem:$0x3FB0] =	sst s0  }
0x18: {  	s0 =	sld [smem:$0x3F93];
	_ =	swait.ge [sflag:s4], $0x0  }
0x19: {  	s7 =	sld [smem:$0x3F94]  }
0x1a: {  	s8 =	sadd.s32 $0xFFFFE003, lr  }
0x1b: {  	s9 =	sadd.s32 $0xFFFFFEF7, lr;
	s5 =	simm.s32 $0xFFFFFFFF;
	p2 =	slt.u32 s8, $0xFFFFF086  }
0x1c: {  	p1 =	slt.u32 s9, $0xF7A;
	s5 =	simm.s32 @!p2 $0x0  }
0x1d: {  	s5 =	simm.s32 @p1 $0x1;
	p0 =	seq.s32 s7, s2  }
0x1e: {  	s7 =	smul.u32 @!p0 $0xF7A, s2;
	p2 =	seq.s32 @!p0 s5, $0x0  }
0x1f: {  	s9 =	smul.u32 $0xF7A, s1;
	s8 =	simm.s32 @!p0 $0x1BF5;
	p2 =	por !p2, p0  }
0x20: {  	[sflag:s8] =	ssyncset.s32 @!p0 $0xFFFFF086;
	s6 =	sadd.s32 @!p0 s3, s7;
	s7 =	simm.s32 @!p0 $0x108  }
0x21: {  	s3 =	sadd.s32 s3, s9;
	s6 =	sadd.s32 @!p0 $0x88, s6;
	s7 =	simm.s32 @p2 $0x1082  }
0x22: {  	[simem:s7], [sflag:s8] =	dma.local @!p0 [hbm:s6], $0xF7A  }
0x23: {  	s9 =	sor.u32 $0xD0000000, s2;
	s6 =	simm.s32 $0x108;
	_ =	swait.ge @!p0 [sflag:s8], $0x0  }
0x24: {  	s3 =	sadd.s32 $0x88, s3;
	s6 =	simm.s32 @!p1 $0x1082;
	[sflag:s4] =	ssyncset.s32 $0xFFFFF086  }
0x25: {  	[simem:s6], [sflag:s4] =	dma.local [hbm:s3], $0xF7A  }
0x26: {  	[smem:$0x3F94] =	sst s1;
	(tag) =	ssettag s2;
	_ =	strace s9  }
0x27: {  	s1 =	sld [smem:$0x3FA4]  }
0x28: {  	s2 =	sld [smem:$0x3FA5]  }
0x29: {  	s4 =	sld [smem:$0x3FA7]  }
0x2a: {  	p0 =	seq.s32 s5, $0x0;
	s5 =	sld [smem:$0x3FA8]  }
0x2b: {  	s6 =	sld [smem:$0x3FA9]  }
0x2c: {  	s7 =	sld [smem:$0x3FAA]  }
0x2d: {  	s3 =	simm.s32 $0x108;
	s8 =	sld [smem:$0x3FAB]  }
0x2e: {  	s3 =	simm.s32 @!p0 $0x1082;
	s9 =	sld [smem:$0x3FAC]  }
0x2f: {  	lr =	sadd.s32 s0, s3;
	s0 =	sld [smem:$0x3FA3]  }
0x30: {  	s3 =	sld [smem:$0x3FA6]  }
0x31: {  	[smem:$0x3FAF] =	sst s10  }
0x32: {  	s10 =	sld [smem:$0x3FAD];
	_ =	sdelay $0x3  }
0x33: {  	p0 =	seq.s32 s10, $0x1;
	s10 =	sld [smem:$0x3FAF];
	_ =	sdelay $0x3  }
0x34: {  	[smem:$0x3FAF] =	sst s10  }
0x35: {  	s10 =	sld [smem:$0x3FAE];
	_ =	sdelay $0x3  }
0x36: {  	p1 =	seq.s32 s10, $0x1;
	s10 =	sld [smem:$0x3FAF];
	_ =	sdelay $0x3  }
0x37: {  	[smem:$0x3FAF] =	sst s10  }
0x38: {  	s10 =	sld [smem:$0x3FB0]  }
0x39: {  	_ = 	snop;
	(pc) =	sbr.ind lr, $3  }
0x3a: {  	_ = 	snop  }
0x3b: {  	_ = 	snop  }
0x3c: {  	p2 =	seq.s32 s10, $0x1;
	s10 =	sld [smem:$0x3FAF]  }
0x3d: {  	_ =	shalt  }
0x3e: {  	_ =	shalt  }
0x3f: {  	_ =	shalt  }
0x40: {  	_ =	shalt  }
0x41: {  	_ =	shalt  }
0x42: {  	_ =	shalt  }
0x43: {  	_ =	shalt  }
0x44: {  	_ =	shalt  }
0x45: {  	_ =	shalt  }
0x46: {  	_ =	shalt  }
0x47: {  	_ =	shalt  }
0x48: {  	_ =	shalt  }
0x49: {  	_ =	shalt  }
0x4a: {  	_ =	shalt  }
0x4b: {  	_ =	shalt  }
0x4c: {  	_ =	shalt  }
0x4d: {  	_ =	shalt  }
0x4e: {  	_ =	shalt  }
0x4f: {  	_ =	shalt  }
0x50: {  	_ =	shalt  }
0x51: {  	_ =	shalt  }
0x52: {  	_ =	shalt  }
0x53: {  	_ =	shalt  }
0x54: {  	_ =	shalt  }
0x55: {  	_ =	shalt  }
0x56: {  	_ =	shalt  }
0x57: {  	_ =	shalt  }
0x58: {  	_ =	shalt  }
0x59: {  	_ =	shalt  }
0x5a: {  	_ =	shalt  }
0x5b: {  	_ =	shalt  }
0x5c: {  	_ =	shalt  }
0x5d: {  	_ =	shalt  }
0x5e: {  	_ =	shalt  }
0x5f: {  	_ =	shalt  }
0x60: {  	_ =	shalt  }
0x61: {  	_ =	shalt  }
0x62: {  	_ =	shalt  }
0x63: {  	_ =	shalt  }
0x64: {  	_ =	shalt  }
0x65: {  	_ =	shalt  }
0x66: {  	_ =	shalt  }
0x67: {  	_ =	shalt  }
0x68: {  	_ =	shalt  }
0x69: {  	_ =	shalt  }
0x6a: {  	_ =	shalt  }
0x6b: {  	_ =	shalt  }
0x6c: {  	_ =	shalt  }
0x6d: {  	_ =	shalt  }
0x6e: {  	_ =	shalt  }
0x6f: {  	_ =	shalt  }
0x70: {  	_ =	shalt  }
0x71: {  	_ =	shalt  }
0x72: {  	_ =	shalt  }
0x73: {  	_ =	shalt  }
0x74: {  	_ =	shalt  }
0x75: {  	_ =	shalt  }
0x76: {  	_ =	shalt  }
0x77: {  	_ =	shalt  }
0x78: {  	_ =	shalt  }
0x79: {  	_ =	shalt  }
0x7a: {  	_ =	shalt  }
0x7b: {  	_ =	shalt  }
0x7c: {  	_ =	shalt  }
0x7d: {  	_ =	shalt  }
0x7e: {  	_ =	shalt  }
0x7f: {  	_ =	shalt  }
0x80: {  	_ =	shalt  }
0x81: {  	_ =	shalt  }
0x82: {  	_ =	shalt  }
0x83: {  	_ =	shalt  }
0x84: {  	_ =	shalt  }
0x85: {  	_ =	shalt  }
0x86: {  	_ =	shalt  }
0x87: {  	_ =	shalt  }
.Lfunc_end0:
.L_simem_size_0:
called_computation_lowered:
.L_overlay_start_0:
0x88: {  	s2 =	sld [smem:$0x3FD9]  }
0x89: {  	s3 =	sld [smem:$0x3FFE];
	_ =	sdelay $0x1  }
0x8a: {  	s1 =	srdreg.scid  }
0x8b: {  	s0 =	sand.u32 $0x1, s1  }
0x8c: {  	s17 =	sshll.u32 s0, $0xA;
	s2 =	sadd.s32 s3, s2  }
0x8d: {  	s2 =	sadd.s32 s2, s17  }
0x8e: {  	[smem:$0x3FBB] =	sst s2  }
0x8f: {  	_ = 	snop  }
0x90: {  	s2 =	sld [smem:$0x3FC6]  }
0x91: {  	s18 =	sld [smem:$0x3FC5]  }
0x92: {  	s4 =	sld [smem:$0x3FD0];
	(tm) =	ssettm $0x1  }
0x93: {  	s5 =	sld [smem:$0x3FFB];
	_ =	sdelay $0x3  }
0x94: {  	_ =	strace s5  }
0x95: {  	s5 =	sld [smem:$0x3FFC];
	_ =	sdelay $0x3  }
0x96: {  	_ =	strace s5  }
0x97: {  	s5 =	sld [smem:$0x3FFD];
	_ =	sdelay $0x3  }
0x98: {  	_ =	strace s5  }
0x99: {  	_ =	strace $0x8FFFFFFF  }
0x9a: {  	s19 =	sld [smem:$0x3FDB];
	_ =	sdelay $0x1  }
0x9b: {  	s6 =	simm.s32 $_scs_section_size  }
0x9c: {  	s7 =	simm.s32 $_size__tile_overlayer_lowered;
	s8 =	simm.s32 $_tile_overlayer_lowered  }
0x9d: {  	s22 =	simm.s32 $0x1BFF;
	s21 =	sshll.u32 s8, $0x1;
	s5 =	sadd.s32 s6, s19  }
0x9e: {  	s9 =	simm.s32 $0x0;
	s20 =	sshll.u32 s7, $0x1;
	s7 =	sadd.s32 s21, s5  }
0x9f: {  	[timem:s9], [sflag:s22] =	dma.local [hbm:s7], s20  }
0xa0: {  	_ =	swait.ge [sflag:s22], s20  }
0xa1: {  	s6 =	ssub.s32 $0x0, s20;
	[sflag:s22] =	ssyncset.done $0x0  }
0xa2: {  	[sflag:s22] =	ssyncadd.s32 s6;
	_ =	sdelay $0x1  }
0xa3: {  	s23 =	simm.s32 $0x1B8B  }
0xa4: {  	_ =	swait.ge [sflag:s23], $0x1  }
0xa5: {  	[sflag:s23] =	ssyncset.done $0x0  }
0xa6: {  	s25 =	simm.s32 $0x1B8E;
	s24 =	sld [smem:$0x3FFE];
	[sflag:s23] =	ssyncadd.s32 $0xFFFFFFFF  }
0xa7: {  	s26 =	simm.s32 $execute0_lowered;
	[smem:$0x3FD2] =	sst s25  }
0xa8: {  	s7 =	sshll.u32 s26, $0x1;
	_ =	strace $0x80000046;
	[dreg:$0x1] =	wrdreg $0xFFFFFFFF  }
0xa9: {  	s28 =	simm.s32 $_size_execute0_lowered;
	s5 =	sadd.s32 s5, s7;
	[dreg:$0x0] =	wrdreg $0x0  }
0xaa: {  	s7 =	sshll.u32 s28, $0x1;
	[dreg:$0x2] =	wrdreg s5  }
0xab: {  	[dreg:$0x3] =	wrdreg s7  }
0xac: {  	[dreg:$0x4] =	wrdreg $0xC0  }
0xad: {  	_ =	task [dreg:s9], $0x5FFFF  }
0xae: {  	[dreg:$0x1] =	wrdreg $0xFFFFFFFF  }
0xaf: {  	[dreg:$0x0] =	wrdreg $0x60  }
0xb0: {  	[dreg:$0x2] =	wrdreg s24  }
0xb1: {  	[dreg:$0x3] =	wrdreg s4  }
0xb2: {  	[dreg:$0x4] =	wrdreg s2  }
0xb3: {  	[dreg:$0x5] =	wrdreg s18  }
0xb4: {  	[dreg:$0x6] =	wrdreg $0x9  }
0xb5: {  	_ =	task.clear_ibuf [dreg:s9], $0x7FFFF;
	_ =	strace $0x90000046  }
0xb6: {  	s29 =	simm.s32 $0x9;
	_ =	strace $0x80000053  }
0xb7: {  	_ =	swait.ge [sflag:s29], $0x1  }
0xb8: {  	[sflag:s29] =	ssyncadd.s32 $0xFFFFFFFF  }
0xb9: {  	_ =	strace $0x90000053  }
0xba: {  	_ =	sfence  }
0xbb: {  	s30 =	sld [smem:$0x0];
	_ =	sdelay $0x2  }
0xbc: {  	s31 =	sshll.u32 s1, $0xD;
	s1 =	sshrl.u32 s1, $0x2  }
0xbd: {  	s3 =	sand.u32 $0x4000, s31;
	s1 =	sadd.s32 s1, s30  }
0xbe: {  	s0 =	sor.u32 s3, s0;
	s1 =	sshll.u32 s1, $0x11  }
0xbf: {  	s0 =	sor.u32 s1, s0  }
0xc0: {  	s0 =	sadd.s32 $0x8F2B, s0  }
0xc1: {  	[sflag:s0] =	ssyncadd.remote.s32 $0x1  }
0xc2: {  	_ =	sfence.sel $0xFFFF  }
0xc3: {  	[dreg:$0x0] =	wrdreg $0xFFFFFFFF;
	(pc) =	sbr.abs _section_cstart, $3  }
0xc4: {  	[dreg:$0x1] =	wrdreg $0xFFFFFFFF  }
0xc5: {  	_ =	task.clear_ibuf [dreg:s9], $0x2FFFF;
	_ =	strace $0x9FFFFFFF  }
0xc6: {  	(tm) =	ssettm $0x7FFFFFFF  }
0xc7: {  	_ =	shalt  }
tec
execute0_lowered:
.L_overlay_start_1:
0x0: {  	(tag) =	ssettag $0x1  }
0x1: {  	s0 =	rddreg [dreg:$0x0]  }
0x2: {  	s1 =	rddreg [dreg:$0x1]  }
0x3: {  	s2 =	rddreg [dreg:$0x2]  }
0x4: {  	s3 =	rddreg [dreg:$0x3]  }
0x5: {  	s4 =	simm.s32 $0x0;
	s5 =	srdreg.scid;
	s8 =	stileid.u32  }
0x6: {  	s14 =	simm.s32 $0x80;
	s15 =	simm.s32 $0x1;
	s16 =	simm.s32 $0x2  }
0x7: {  	s17 =	simm.s32 $0x0;
	[smem:$0x7FF] =	sst s4;
	s5 =	sand.u32 $0x1, s5  }
0x8: {  	s6 =	sadd.s32 $0x2A00, s0;
	s9 =	ssub.s32 $0x2, s5;
	s5 =	sshll.u32 s5, $0x4  }
0x9: {  	s7 =	sadd.s32 $0x3200, s0;
	_ =	strace $0x80000047;
	s5 =	sor.u32 s8, s5  }
0xa: {  	s10 =	sshrl.u32 s9, $0x1;
	s8 =	sadd.s32 $0x43200, s0;
	s11 =	sshll.u32 s5, $0x6  }
0xb: {  	s30 =	ssub.s32 s9, s10;
	s9 =	sshll.u32 s5, $0x2;
	s31 =	sadd.s32 s6, s11  }
0xc: {  	s11 =	sadd.s32 s1, s11;
	s12 =	smax.u32 s30, $0x1;
	[dreg:$0x5] =	wrdreg s31  }
.LBB2_1:
0xd: {  	_ =	strace $0x80000048;
	s31 =	simm.s32 $0x100  }
0xe: {  	s19 =	simm.s32 $0x4;
	s29 =	simm.s32 $0x0;
	s18 =	simm.s32 $0x0  }
0xf: {  	s20 =	simm.s32 $0x0;
	s25 =	simm.s32 $0x0;
	s0 =	rddreg [dreg:$0x5]  }
0x10: {  	[tilespmem:s4], [sflag:$0x3] =	stream.linear.gather [hbm4b:s0+s4], $0x80, $0x200038;
	[tilespmem:$0x10200] =	vst v63  }
0x11: {  	s21 =	simm.s32 $0x0;
	s22 =	simm.s32 $0x0;
	s23 =	simm.s32 $0x1  }
0x12: {  	[tilespmem:s31], [sflag:$0x5] =	stream.linear.gather [hbm4b:s11+s4], $0x80, $0x200038;
	[tilespmem:$0x10200] =	vst v63  }
0x13: {  	s24 =	simm.s32 $0x0;
	s28 =	simm.s32 $0x1;
	_ =	strace $0x90000048  }
.LBB2_2:
0x14: {  	s26 =	sadd.s32 $0x1, s29  }
0x15: {  	p0 =	seq.s32 s26, $0x4  }
0x16: {  	s26 =	simm.s32 @p0 $0x0;
	p0 =	seq.s32 s19, $0x1  }
0x17: {  	p1 =	seq.s32 @!p0 s29, s26  }
0x18: {  	p2 =	por p1, p0  }
0x19: {  	s0 =	sadd.s32 @!p2 s9, s26  }
0x1a: {  	s5 =	sand.u32 @!p2 $0x1, s28;
	s0 =	sshll.u32 @!p2 s0, $0x4  }
0x1b: {  	_ =	strace @!p2 $0x80000049;
	s31 =	simm.s32 @!p2 $0x0;
	s0 =	sand.u32 @!p2 $0x1FFFFFF0, s0  }
0x1c: {  	s13 =	sshll.u32 @!p2 s5, $0x7;
	s5 =	sadd.s32 @!p2 $0x3, s5;
	s30 =	sadd.s32 @!p2 s6, s0  }
0x1d: {  	[tilespmem:s13], [sflag:s5] =	stream.linear.gather @!p2 [hbm4b:s30+s31], $0x80, $0x200038;
	[tilespmem:$0x10200] =	vst v63  }
0x1e: {  	s5 =	sand.u32 @!p2 $0x1, s23  }
0x1f: {  	s0 =	sadd.s32 @!p2 s1, s0;
	_ =	strace @!p2 $0x90000049;
	s13 =	sshll.u32 @!p2 s5, $0x7  }
0x20: {  	s5 =	sadd.s32 @!p2 $0x5, s5;
	_ =	strace @!p2 $0x8000004A;
	s13 =	sor.u32 @!p2 $0x100, s13  }
0x21: {  	[tilespmem:s13], [sflag:s5] =	stream.linear.gather @!p2 [hbm4b:s0+s31], $0x80, $0x200038;
	[tilespmem:$0x10200] =	vst v63  }
0x22: {  	s30 =	sand.u32 $0x1, s24;
	_ =	strace @!p2 $0x9000004A  }
0x23: {  	s0 =	sadd.s32 $0x3, s30;
	_ =	strace $0x8000004B  }
0x24: {  	_ =	swait.ge [sflag:s0], $0x80  }
0x25: {  	[sflag:s0] =	ssyncset.done $0x0  }
0x26: {  	[sflag:s0] =	ssyncadd.s32 $0xFFFFFF80  }
0x27: {  	s31 =	sand.u32 $0x1, s22;
	_ =	strace $0x9000004B  }
0x28: {  	s0 =	sadd.s32 $0x5, s31;
	_ =	strace $0x8000004C  }
0x29: {  	_ =	swait.ge [sflag:s0], $0x80  }
0x2a: {  	s10 =	sshll.u32 s24, $0x7;
	[sflag:s0] =	ssyncset.done $0x0  }
0x2b: {  	s30 =	sand.u32 $0x80, s10;
	s31 =	sand.u32 $0x1, s21;
	[sflag:s0] =	ssyncadd.s32 $0xFFFFFF80  }
0x2c: {  	s10 =	sshll.u32 s22, $0x7;
	s5 =	sshll.u32 s31, $0xE;
	_ =	strace $0x9000004C  }
0x2d: {  	s5 =	sor.u32 $0x200, s5;
	s0 =	sand.u32 $0x1, s20;
	_ =	strace $0x8000004D  }
0x2e: {  	[tilespmem:s5], [sflag:$0x1] =	stream.indirect.gather [hbm4b:s2+s14], $0x80, s30, s14, $0x2000b8;
	[tilespmem:$0x10200] =	vst v63  }
0x2f: {  	s10 =	sand.u32 $0x80, s10;
	s30 =	sshll.u32 s0, $0xE  }
0x30: {  	s10 =	sor.u32 $0x100, s10;
	s13 =	sor.u32 $0x8200, s30  }
0x31: {  	[tilespmem:s13], [sflag:$0x2] =	stream.indirect.gather [hbm4b:s3+s14], $0x80, s10, s14, $0x2000b8;
	[tilespmem:$0x10200] =	vst v63  }
0x32: {  	_ =	swait.ge [sflag:s15], $0x4000  }
0x33: {  	[sflag:s15] =	ssyncset.done $0x0  }
0x34: {  	[sflag:s15] =	ssyncadd.s32 $0xFFFFC000  }
0x35: {  	p3 =	por p0, !p1;
	_ =	swait.ge [sflag:s16], $0x4000  }
0x36: {  	s10 =	sadd.s32 @p3 s9, s29;
	[sflag:s16] =	ssyncset.done $0x0  }
0x37: {  	s10 =	sshll.u32 @p3 s10, $0xB;
	[sflag:s16] =	ssyncadd.s32 $0xFFFFC000  }
0x38: {  	s30 =	simm.s32 $0x0;
	s10 =	sand.u32 @p3 $0x1FFFF800, s10;
	_ =	strace $0x9000004D  }
0x39: {  	s29 =	sadd.s32 @p3 $0x7, s31;
	s30 =	sadd.s32 @p3 s7, s10;
	_ =	strace @p3 $0x8000004E  }
0x3a: {  	[hbm4b:s30+s4] =	stream.linear.scatter @p3 [tilespmem:s5], [sflag:s29], $0x4000, $0x200038;
	[tilespmem:$0x10200] =	vst v63  }
0x3b: {  	p1 =	por !p1, p0;
	s21 =	sadd.s32 @p3 $0x1, s21;
	_ =	strace @p3 $0x9000004E  }
0x3c: {  	s0 =	sadd.s32 @p3 $0x9, s0;
	s5 =	sadd.s32 @p3 s8, s10;
	_ =	strace @p3 $0x8000004F  }
0x3d: {  	[hbm4b:s5+s4] =	stream.linear.scatter @p3 [tilespmem:s13], [sflag:s0], $0x4000, $0x200038;
	[tilespmem:$0x10200] =	vst v63  }
0x3e: {  	s30 =	simm.s32 @p3 $0x1;
	_ =	strace @p3 $0x9000004F;
	p3 =	seq.s32 s19, $0x4  }
0x3f: {  	s29 =	smov.u32 s26;
	s20 =	sadd.s32 s20, s30;
	s0 =	sand.u32 @!p3 $0x1, s25  }
0x40: {  	s24 =	sadd.s32 s24, s30;
	_ =	strace @!p3 $0x80000050;
	s0 =	sadd.s32 @!p3 $0x7, s0  }
0x41: {  	s5 =	sadd.s32 @!p2 $0x1, s28;
	s13 =	smov.u32 s28;
	_ =	swait.ge @!p3 [sflag:s0], $0x4000  }
0x42: {  	s13 =	smov.u32 @p1 s5;
	s19 =	sadd.s32 $0xFFFFFFFF, s19;
	[sflag:s0] =	ssyncset.done @!p3 $0x0  }
0x43: {  	s10 =	sand.u32 @!p3 $0x1, s18;
	[sflag:s0] =	ssyncadd.s32 @!p3 $0xFFFFC000;
	s0 =	simm.s32 $0x0  }
0x44: {  	s13 =	smov.u32 @p0 s28;
	s5 =	simm.s32 @!p3 $0x1;
	s0 =	simm.s32 @p1 $0x1  }
0x45: {  	_ =	strace @!p3 $0x90000050;
	s0 =	simm.s32 @p0 $0x0;
	p0 =	sne.s32 s19, $0x0  }
.Ltmp0:
0x46: {  	s10 =	sadd.s32 @!p3 $0x9, s10;
	_ =	strace @!p3 $0x80000051;
	(pc) =	sbr.rel @p0 .LBB2_2-.Ltmp0, $4  }
0x47: {  	s22 =	sadd.s32 s22, s30;
	s5 =	simm.s32 @p3 $0x0;
	_ =	swait.ge @!p3 [sflag:s10], $0x4000  }
0x48: {  	s23 =	sadd.s32 s23, s0;
	s0 =	sadd.s32 @!p3 $0x1, s25;
	[sflag:s10] =	ssyncset.done @!p3 $0x0  }
0x49: {  	s28 =	smov.u32 s13;
	s0 =	smov.u32 @p3 s25;
	[sflag:s10] =	ssyncadd.s32 @!p3 $0xFFFFC000  }
0x4a: {  	s18 =	sadd.s32 s18, s5;
	s25 =	smov.u32 s0;
	_ =	strace @!p3 $0x90000051  }
0x4b: {  	s0 =	sand.u32 $0x1, s0  }
0x4c: {  	_ =	strace $0x80000052;
	s0 =	sadd.s32 $0x7, s0  }
0x4d: {  	s17 =	sadd.s32 $0x1, s17;
	_ =	swait.ge [sflag:s0], $0x4000  }
0x4e: {  	s5 =	sand.u32 $0x1, s18;
	p0 =	sne.s32 s17, s12;
	[sflag:s0] =	ssyncset.done $0x0  }
.Ltmp1:
0x4f: {  	s31 =	sadd.s32 $0x9, s5;
	[sflag:s0] =	ssyncadd.s32 $0xFFFFC000;
	(pc) =	sbr.rel @p0 .LBB2_1-.Ltmp1, $4  }
0x50: {  	_ =	swait.ge [sflag:s31], $0x4000  }
0x51: {  	[sflag:s31] =	ssyncset.done $0x0  }
0x52: {  	[sflag:s31] =	ssyncadd.s32 $0xFFFFC000  }
0x53: {  	_ =	strace $0x90000052  }
0x54: {  	_ =	sfence.sel $0x180000  }
0x55: {  	[bflag:$0x0] =	sbarrier.arrive $0xFFFF  }
0x56: {  	_ =	strace $0x90000047  }
0x57: {  	s0 =	stileid.u32;
	[bflag:$0x2] =	sbarrier.arrive $0xFFFF  }
0x58: {  	p0 =	sne.s32 s0, $0x0;
	s0 =	rddreg [dreg:$0x4]  }
0x59: {  	s0 =	sadd.s32 @!p0 $0x100000, s0  }
0x5a: {  	[sflag:s0] =	ssyncadd.tile.s32 @!p0 $0x1;
	_ =	shalt  }
.Lfunc_end2:
_tile_overlayer_lowered:
.L_overlay_start_2:
0x5b: {  	(tag) =	ssettag $0x2  }
0x5c: {  	s0 =	rddreg [dreg:$0x0];
	s2 =	stileid.u32  }
0x5d: {  	s1 =	rddreg [dreg:$0x1];
	p0 =	sne.s32 s2, $0x0  }
0x5e: {  	s3 =	rddreg [dreg:$0x2];
	[bflag:$0x3] =	sbarrier.arrive $0xFFFF;
	s2 =	simm.s32 @!p0 $0x1C03  }
0x5f: {  	[timem:s3], [sflag:s2] =	dma.local @!p0 [hbm:s0], s1  }
0x60: {  	s0 =	simm.s32 @!p0 $0x3  }
0x61: {  	_ =	swait.ge @!p0 [sflag:s0], s1  }
0x62: {  	s1 =	ssub.s32 @!p0 $0x0, s1;
	[sflag:s0] =	ssyncset.done @!p0 $0x0  }
0x63: {  	[sflag:s0] =	ssyncadd.s32 @!p0 s1  }
0x64: {  	[bflag:$0x3] =	sbarrier.arrive $0xFFFF  }
0x65: {  	_ =	shalt  }

// kernel: kernel.9.cloned.1.call-start
scs
__scs_entry_jumppad:
0x0: {  	(pc) =	sbr.rel $0x88, $3  }
0x1: {  	(tag) =	ssettag $0x0;
	lr =	simm.s32 $0x1  }
0x2: {  	[smem:$0x3F94] =	sst lr;
	_ =	strace $0xD0000000  }
0x3: {  	_ = 	snop  }
0x4: {  	_ = 	snop  }
0x5: {  	_ = 	snop  }
0x6: {  	_ = 	snop  }
0x7: {  	_ = 	snop  }
__scs_overlays_trampoline_lowered:
0x8: {  	[smem:$0x3FA3] =	sst s0  }
0x9: {  	[smem:$0x3FA4] =	sst s1  }
0xa: {  	[smem:$0x3FA5] =	sst s2  }
0xb: {  	[smem:$0x3FA6] =	sst s3  }
0xc: {  	[smem:$0x3FA7] =	sst s4  }
0xd: {  	[smem:$0x3FA8] =	sst s5  }
0xe: {  	[smem:$0x3FA9] =	sst s6  }
0xf: {  	[smem:$0x3FAA] =	sst s7  }
0x10: {  	[smem:$0x3FAB] =	sst s8  }
0x11: {  	[smem:$0x3FAC] =	sst s9;
	s0 =	simm.s32 @!p0 $0x0  }
0x12: {  	s1 =	sld [smem:$0x3F92];
	s0 =	simm.s32 @p0 $0x1  }
0x13: {  	[smem:$0x3FAD] =	sst s0;
	s0 =	simm.s32 @!p1 $0x0  }
0x14: {  	s2 =	sld [smem:$0x3F91];
	s0 =	simm.s32 @p1 $0x1  }
0x15: {  	[smem:$0x3FAE] =	sst s0;
	s0 =	simm.s32 @!p2 $0x0  }
0x16: {  	s3 =	sld [smem:$0x3FDB];
	s0 =	simm.s32 @p2 $0x1  }
0x17: {  	s4 =	simm.s32 $0x1BF5;
	[smem:$0x3FB0] =	sst s0  }
0x18: {  	s0 =	sld [smem:$0x3F93];
	_ =	swait.ge [sflag:s4], $0x0  }
0x19: {  	s7 =	sld [smem:$0x3F94]  }
0x1a: {  	s8 =	sadd.s32 $0xFFFFE003, lr  }
0x1b: {  	s9 =	sadd.s32 $0xFFFFFEF7, lr;
	s5 =	simm.s32 $0xFFFFFFFF;
	p2 =	slt.u32 s8, $0xFFFFF086  }
0x1c: {  	p1 =	slt.u32 s9, $0xF7A;
	s5 =	simm.s32 @!p2 $0x0  }
0x1d: {  	s5 =	simm.s32 @p1 $0x1;
	p0 =	seq.s32 s7, s2  }
0x1e: {  	s7 =	smul.u32 @!p0 $0xF7A, s2;
	p2 =	seq.s32 @!p0 s5, $0x0  }
0x1f: {  	s9 =	smul.u32 $0xF7A, s1;
	s8 =	simm.s32 @!p0 $0x1BF5;
	p2 =	por !p2, p0  }
0x20: {  	[sflag:s8] =	ssyncset.s32 @!p0 $0xFFFFF086;
	s6 =	sadd.s32 @!p0 s3, s7;
	s7 =	simm.s32 @!p0 $0x108  }
0x21: {  	s3 =	sadd.s32 s3, s9;
	s6 =	sadd.s32 @!p0 $0x88, s6;
	s7 =	simm.s32 @p2 $0x1082  }
0x22: {  	[simem:s7], [sflag:s8] =	dma.local @!p0 [hbm:s6], $0xF7A  }
0x23: {  	s9 =	sor.u32 $0xD0000000, s2;
	s6 =	simm.s32 $0x108;
	_ =	swait.ge @!p0 [sflag:s8], $0x0  }
0x24: {  	s3 =	sadd.s32 $0x88, s3;
	s6 =	simm.s32 @!p1 $0x1082;
	[sflag:s4] =	ssyncset.s32 $0xFFFFF086  }
0x25: {  	[simem:s6], [sflag:s4] =	dma.local [hbm:s3], $0xF7A  }
0x26: {  	[smem:$0x3F94] =	sst s1;
	(tag) =	ssettag s2;
	_ =	strace s9  }
0x27: {  	s1 =	sld [smem:$0x3FA4]  }
0x28: {  	s2 =	sld [smem:$0x3FA5]  }
0x29: {  	s4 =	sld [smem:$0x3FA7]  }
0x2a: {  	p0 =	seq.s32 s5, $0x0;
	s5 =	sld [smem:$0x3FA8]  }
0x2b: {  	s6 =	sld [smem:$0x3FA9]  }
0x2c: {  	s7 =	sld [smem:$0x3FAA]  }
0x2d: {  	s3 =	simm.s32 $0x108;
	s8 =	sld [smem:$0x3FAB]  }
0x2e: {  	s3 =	simm.s32 @!p0 $0x1082;
	s9 =	sld [smem:$0x3FAC]  }
0x2f: {  	lr =	sadd.s32 s0, s3;
	s0 =	sld [smem:$0x3FA3]  }
0x30: {  	s3 =	sld [smem:$0x3FA6]  }
0x31: {  	[smem:$0x3FAF] =	sst s10  }
0x32: {  	s10 =	sld [smem:$0x3FAD];
	_ =	sdelay $0x3  }
0x33: {  	p0 =	seq.s32 s10, $0x1;
	s10 =	sld [smem:$0x3FAF];
	_ =	sdelay $0x3  }
0x34: {  	[smem:$0x3FAF] =	sst s10  }
0x35: {  	s10 =	sld [smem:$0x3FAE];
	_ =	sdelay $0x3  }
0x36: {  	p1 =	seq.s32 s10, $0x1;
	s10 =	sld [smem:$0x3FAF];
	_ =	sdelay $0x3  }
0x37: {  	[smem:$0x3FAF] =	sst s10  }
0x38: {  	s10 =	sld [smem:$0x3FB0]  }
0x39: {  	_ = 	snop;
	(pc) =	sbr.ind lr, $3  }
0x3a: {  	_ = 	snop  }
0x3b: {  	_ = 	snop  }
0x3c: {  	p2 =	seq.s32 s10, $0x1;
	s10 =	sld [smem:$0x3FAF]  }
0x3d: {  	_ =	shalt  }
0x3e: {  	_ =	shalt  }
0x3f: {  	_ =	shalt  }
0x40: {  	_ =	shalt  }
0x41: {  	_ =	shalt  }
0x42: {  	_ =	shalt  }
0x43: {  	_ =	shalt  }
0x44: {  	_ =	shalt  }
0x45: {  	_ =	shalt  }
0x46: {  	_ =	shalt  }
0x47: {  	_ =	shalt  }
0x48: {  	_ =	shalt  }
0x49: {  	_ =	shalt  }
0x4a: {  	_ =	shalt  }
0x4b: {  	_ =	shalt  }
0x4c: {  	_ =	shalt  }
0x4d: {  	_ =	shalt  }
0x4e: {  	_ =	shalt  }
0x4f: {  	_ =	shalt  }
0x50: {  	_ =	shalt  }
0x51: {  	_ =	shalt  }
0x52: {  	_ =	shalt  }
0x53: {  	_ =	shalt  }
0x54: {  	_ =	shalt  }
0x55: {  	_ =	shalt  }
0x56: {  	_ =	shalt  }
0x57: {  	_ =	shalt  }
0x58: {  	_ =	shalt  }
0x59: {  	_ =	shalt  }
0x5a: {  	_ =	shalt  }
0x5b: {  	_ =	shalt  }
0x5c: {  	_ =	shalt  }
0x5d: {  	_ =	shalt  }
0x5e: {  	_ =	shalt  }
0x5f: {  	_ =	shalt  }
0x60: {  	_ =	shalt  }
0x61: {  	_ =	shalt  }
0x62: {  	_ =	shalt  }
0x63: {  	_ =	shalt  }
0x64: {  	_ =	shalt  }
0x65: {  	_ =	shalt  }
0x66: {  	_ =	shalt  }
0x67: {  	_ =	shalt  }
0x68: {  	_ =	shalt  }
0x69: {  	_ =	shalt  }
0x6a: {  	_ =	shalt  }
0x6b: {  	_ =	shalt  }
0x6c: {  	_ =	shalt  }
0x6d: {  	_ =	shalt  }
0x6e: {  	_ =	shalt  }
0x6f: {  	_ =	shalt  }
0x70: {  	_ =	shalt  }
0x71: {  	_ =	shalt  }
0x72: {  	_ =	shalt  }
0x73: {  	_ =	shalt  }
0x74: {  	_ =	shalt  }
0x75: {  	_ =	shalt  }
0x76: {  	_ =	shalt  }
0x77: {  	_ =	shalt  }
0x78: {  	_ =	shalt  }
0x79: {  	_ =	shalt  }
0x7a: {  	_ =	shalt  }
0x7b: {  	_ =	shalt  }
0x7c: {  	_ =	shalt  }
0x7d: {  	_ =	shalt  }
0x7e: {  	_ =	shalt  }
0x7f: {  	_ =	shalt  }
0x80: {  	_ =	shalt  }
0x81: {  	_ =	shalt  }
0x82: {  	_ =	shalt  }
0x83: {  	_ =	shalt  }
0x84: {  	_ =	shalt  }
0x85: {  	_ =	shalt  }
0x86: {  	_ =	shalt  }
0x87: {  	_ =	shalt  }
.Lfunc_end0:
.L_simem_size_0:
called_computation.1_lowered:
.L_overlay_start_0:
0x88: {  	s2 =	sld [smem:$0x3FD9]  }
0x89: {  	s3 =	sld [smem:$0x3FFE];
	_ =	sdelay $0x1  }
0x8a: {  	s1 =	srdreg.scid  }
0x8b: {  	s0 =	sand.u32 $0x1, s1  }
0x8c: {  	s17 =	sshll.u32 s0, $0xA;
	s2 =	sadd.s32 s3, s2  }
0x8d: {  	s2 =	sadd.s32 s2, s17  }
0x8e: {  	[smem:$0x3FBB] =	sst s2  }
0x8f: {  	_ = 	snop  }
0x90: {  	s2 =	sld [smem:$0x3FD0];
	(tm) =	ssettm $0x1  }
0x91: {  	s18 =	sld [smem:$0x3FFB];
	_ =	sdelay $0x3  }
0x92: {  	_ =	strace s18  }
0x93: {  	s3 =	sld [smem:$0x3FFC];
	_ =	sdelay $0x3  }
0x94: {  	_ =	strace s3  }
0x95: {  	s3 =	sld [smem:$0x3FFD];
	_ =	sdelay $0x3  }
0x96: {  	_ =	strace s3  }
0x97: {  	_ =	strace $0x8FFFFFFF  }
0x98: {  	s19 =	sld [smem:$0x3FDB];
	_ =	sdelay $0x1  }
0x99: {  	s4 =	simm.s32 $_scs_section_size  }
0x9a: {  	s5 =	simm.s32 $_size__tile_overlayer_lowered;
	s6 =	simm.s32 $_tile_overlayer_lowered  }
0x9b: {  	s22 =	simm.s32 $0x1BFF;
	s21 =	sshll.u32 s6, $0x1;
	s3 =	sadd.s32 s4, s19  }
0x9c: {  	s7 =	simm.s32 $0x0;
	s20 =	sshll.u32 s5, $0x1;
	s5 =	sadd.s32 s21, s3  }
0x9d: {  	[timem:s7], [sflag:s22] =	dma.local [hbm:s5], s20  }
0x9e: {  	_ =	swait.ge [sflag:s22], s20  }
0x9f: {  	s4 =	ssub.s32 $0x0, s20;
	[sflag:s22] =	ssyncset.done $0x0  }
0xa0: {  	[sflag:s22] =	ssyncadd.s32 s4;
	_ =	sdelay $0x1  }
0xa1: {  	s23 =	simm.s32 $0x1B8B  }
0xa2: {  	_ =	swait.ge [sflag:s23], $0x1  }
0xa3: {  	[sflag:s23] =	ssyncset.done $0x0  }
0xa4: {  	s25 =	simm.s32 $0x1B8E;
	s24 =	sld [smem:$0x3FFE];
	[sflag:s23] =	ssyncadd.s32 $0xFFFFFFFF  }
0xa5: {  	s26 =	simm.s32 $execute0_lowered;
	[smem:$0x3FD2] =	sst s25  }
0xa6: {  	s5 =	sshll.u32 s26, $0x1;
	_ =	strace $0x80000054;
	[dreg:$0x1] =	wrdreg $0xFFFFFFFF  }
0xa7: {  	s28 =	simm.s32 $_size_execute0_lowered;
	s3 =	sadd.s32 s3, s5;
	[dreg:$0x0] =	wrdreg $0x0  }
0xa8: {  	s5 =	sshll.u32 s28, $0x1;
	[dreg:$0x2] =	wrdreg s3  }
0xa9: {  	[dreg:$0x3] =	wrdreg s5  }
0xaa: {  	[dreg:$0x4] =	wrdreg $0xC0  }
0xab: {  	_ =	task [dreg:s7], $0x5FFFF  }
0xac: {  	[dreg:$0x1] =	wrdreg $0xFFFFFFFF  }
0xad: {  	[dreg:$0x0] =	wrdreg $0x60  }
0xae: {  	[dreg:$0x2] =	wrdreg s24  }
0xaf: {  	[dreg:$0x3] =	wrdreg s2  }
0xb0: {  	[dreg:$0x4] =	wrdreg $0x9  }
0xb1: {  	_ =	task.clear_ibuf [dreg:s7], $0x5FFFF;
	_ =	strace $0x90000054  }
0xb2: {  	s29 =	simm.s32 $0x9;
	_ =	strace $0x8000005F  }
0xb3: {  	_ =	swait.ge [sflag:s29], $0x1  }
0xb4: {  	[sflag:s29] =	ssyncadd.s32 $0xFFFFFFFF  }
0xb5: {  	_ =	strace $0x9000005F  }
0xb6: {  	_ =	sfence  }
0xb7: {  	s30 =	sld [smem:$0x0];
	_ =	sdelay $0x2  }
0xb8: {  	s31 =	sshll.u32 s1, $0xD;
	s1 =	sshrl.u32 s1, $0x2  }
0xb9: {  	s3 =	sand.u32 $0x4000, s31;
	s1 =	sadd.s32 s1, s30  }
0xba: {  	s0 =	sor.u32 s3, s0;
	s1 =	sshll.u32 s1, $0x11  }
0xbb: {  	s0 =	sor.u32 s1, s0  }
0xbc: {  	s0 =	sadd.s32 $0x8F2B, s0  }
0xbd: {  	[sflag:s0] =	ssyncadd.remote.s32 $0x1  }
0xbe: {  	_ =	sfence.sel $0xFFFF  }
0xbf: {  	[dreg:$0x0] =	wrdreg $0xFFFFFFFF;
	(pc) =	sbr.abs _section_cstart, $3  }
0xc0: {  	[dreg:$0x1] =	wrdreg $0xFFFFFFFF  }
0xc1: {  	_ =	task.clear_ibuf [dreg:s7], $0x2FFFF;
	_ =	strace $0x9FFFFFFF  }
0xc2: {  	(tm) =	ssettm $0x7FFFFFFF  }
0xc3: {  	_ =	shalt  }
tec
execute0_lowered:
.L_overlay_start_1:
0x0: {  	(tag) =	ssettag $0x1  }
0x1: {  	s0 =	rddreg [dreg:$0x0]  }
0x2: {  	s1 =	rddreg [dreg:$0x1];
	s2 =	simm.s32 $0x0  }
0x3: {  	s3 =	srdreg.scid;
	s6 =	stileid.u32;
	s13 =	simm.s32 $0x80  }
0x4: {  	s14 =	simm.s32 $0x4000;
	s15 =	simm.s32 $0x1;
	s16 =	simm.s32 $0x2  }
0x5: {  	s17 =	simm.s32 $0x8;
	s18 =	simm.s32 $0x0;
	[smem:$0x7FF] =	sst s2  }
0x6: {  	s4 =	sadd.s32 $0x2A00, s0;
	s3 =	sand.u32 $0x1, s3;
	s5 =	sadd.s32 $0x83200, s0  }
0x7: {  	_ =	strace $0x80000055;
	s7 =	ssub.s32 $0x2, s3;
	s3 =	sshll.u32 s3, $0x4  }
0x8: {  	s8 =	sshrl.u32 s7, $0x1;
	s3 =	sor.u32 s6, s3;
	s6 =	sadd.s32 $0x209C00, s0  }
0x9: {  	s31 =	ssub.s32 s7, s8;
	s9 =	sshll.u32 s3, $0x6;
	s7 =	sshll.u32 s3, $0x2  }
0xa: {  	s8 =	sadd.s32 s4, s9;
	s9 =	sadd.s32 s1, s9;
	s10 =	smax.u32 s31, $0x1  }
.LBB2_1:
0xb: {  	_ =	strace $0x80000056;
	s0 =	simm.s32 $0x8000;
	s31 =	simm.s32 $0x8100  }
0xc: {  	s28 =	simm.s32 $0x0;
	s19 =	simm.s32 $0x0;
	s20 =	simm.s32 $0x0  }
0xd: {  	[tilespmem:s0], [sflag:$0x3] =	stream.linear.gather [hbm4b:s8+s2], $0x80, $0x200038;
	[tilespmem:$0x10200] =	vst v63  }
0xe: {  	s21 =	simm.s32 $0x0;
	s22 =	simm.s32 $0x1;
	s23 =	simm.s32 $0x0  }
0xf: {  	[tilespmem:s31], [sflag:$0x5] =	stream.linear.gather [hbm4b:s9+s2], $0x80, $0x200038;
	[tilespmem:$0x10200] =	vst v63  }
0x10: {  	s24 =	simm.s32 $0x1;
	s25 =	simm.s32 $0x0;
	_ =	strace $0x90000056  }
.LBB2_2:
0x11: {  	s26 =	sadd.s32 $0x1, s28  }
0x12: {  	p0 =	seq.s32 s26, $0x4  }
0x13: {  	s26 =	simm.s32 @p0 $0x0;
	p0 =	seq.s32 s25, $0x3  }
0x14: {  	p1 =	seq.s32 @!p0 s28, s26  }
0x15: {  	p2 =	por p1, p0  }
0x16: {  	s0 =	sadd.s32 @!p2 s7, s26  }
0x17: {  	s3 =	sand.u32 @!p2 $0x1, s24;
	_ =	strace @!p2 $0x80000057;
	s0 =	sshll.u32 @!p2 s0, $0x4  }
0x18: {  	s31 =	simm.s32 @!p2 $0x0;
	s11 =	sshll.u32 @!p2 s3, $0x7;
	s0 =	sand.u32 @!p2 $0x1FFFFFF0, s0  }
0x19: {  	s3 =	sadd.s32 @!p2 $0x3, s3;
	s11 =	sor.u32 @!p2 $0x8000, s11;
	s30 =	sadd.s32 @!p2 s4, s0  }
0x1a: {  	[tilespmem:s11], [sflag:s3] =	stream.linear.gather @!p2 [hbm4b:s30+s31], $0x80, $0x200038;
	[tilespmem:$0x10200] =	vst v63  }
0x1b: {  	s3 =	sand.u32 @!p2 $0x1, s22  }
0x1c: {  	s0 =	sadd.s32 @!p2 s1, s0;
	_ =	strace @!p2 $0x90000057;
	s11 =	sshll.u32 @!p2 s3, $0x7  }
0x1d: {  	s3 =	sadd.s32 @!p2 $0x5, s3;
	_ =	strace @!p2 $0x80000058;
	s11 =	sor.u32 @!p2 $0x8100, s11  }
0x1e: {  	[tilespmem:s11], [sflag:s3] =	stream.linear.gather @!p2 [hbm4b:s0+s31], $0x80, $0x200038;
	[tilespmem:$0x10200] =	vst v63  }
0x1f: {  	s12 =	sand.u32 $0x1, s23;
	_ =	strace @!p2 $0x90000058  }
0x20: {  	s0 =	sadd.s32 $0x3, s12;
	_ =	strace $0x80000059  }
0x21: {  	_ =	swait.ge [sflag:s0], $0x80  }
0x22: {  	[sflag:s0] =	ssyncset.done $0x0  }
0x23: {  	[sflag:s0] =	ssyncadd.s32 $0xFFFFFF80  }
0x24: {  	s3 =	sand.u32 $0x1, s21;
	_ =	strace $0x90000059  }
0x25: {  	s0 =	sadd.s32 $0x5, s3;
	_ =	strace $0x8000005A  }
0x26: {  	_ =	swait.ge [sflag:s0], $0x80  }
0x27: {  	[sflag:s0] =	ssyncset.done $0x0  }
0x28: {  	s11 =	sshll.u32 s23, $0x7;
	[sflag:s0] =	ssyncadd.s32 $0xFFFFFF80  }
0x29: {  	s12 =	simm.s32 $0x0;
	s0 =	sand.u32 $0x80, s11;
	_ =	strace $0x9000005A  }
0x2a: {  	s11 =	sshll.u32 s21, $0x7;
	s0 =	sor.u32 $0x8000, s0;
	_ =	strace $0x8000005B  }
0x2b: {  	[tilespmem:s12], [sflag:$0x1] =	stream.indirect.gather [hbm4b:s5+s13], $0x80, s0, s13, $0x2000b8;
	[tilespmem:$0x10200] =	vst v63  }
0x2c: {  	s0 =	sand.u32 $0x80, s11  }
0x2d: {  	s0 =	sor.u32 $0x8100, s0  }
0x2e: {  	[tilespmem:s14], [sflag:$0x2] =	stream.indirect.gather [hbm4b:s5+s13], $0x80, s0, s13, $0x2000b8;
	[tilespmem:$0x10200] =	vst v63  }
0x2f: {  	_ =	swait.ge [sflag:s15], $0x4000  }
0x30: {  	[sflag:s15] =	ssyncset.done $0x0  }
0x31: {  	[sflag:s15] =	ssyncadd.s32 $0xFFFFC000  }
0x32: {  	_ =	swait.ge [sflag:s16], $0x4000  }
0x33: {  	[sflag:s16] =	ssyncset.done $0x0  }
0x34: {  	s0 =	simm.s32 $0x0;
	[sflag:s16] =	ssyncadd.s32 $0xFFFFC000  }
0x35: {  	s31 =	sand.u32 $0x1, s20;
	v1 =	vld [tilespmem:s0+$0x0]  }
0x36: {  	s11 =	sshll.u32 s31, $0xE;
	v2 =	vld [tilespmem:s0+$0x4020]  }
0x37: {  	s12 =	sor.u32 $0x8210, s11  }
0x38: {  	v0 =	vmov s12;
	_ =	sdelay $0x2  }
0x39: {  	v1 =	vmul.f32 v2, v1  }
0x3a: {  	p1 =	por !p1, p0;
	s30 =	simm.s32 $0x0  }
0x3b: {  	s29 =	smov.u32 s24;
	s30 =	simm.s32 @p1 $0x1;
	s3 =	sadd.s32 @!p2 $0x1, s24;
	[tilespmem:v0+s0+$0xFFFFFFF0 ss:$0x1] =	vst.idx.msk $0xffff, v1  }
0x3c: {  	s30 =	simm.s32 @p0 $0x0;
	s24 =	smov.u32 @p1 s3;
	s3 =	sadd.s32 s7, s28;
	v1 =	vld [tilespmem:s0+$0x10]  }
0x3d: {  	s24 =	smov.u32 @p0 s29;
	s29 =	sor.u32 $0x8200, s11;
	s11 =	simm.s32 $0x200;
	v2 =	vld [tilespmem:s0+$0x4030]  }
.LBB2_3:
0x3e: {  	_ =	sdelay $0x3  }
0x3f: {  	p1 =	sne.s32 s11, $0xFE00;
	s12 =	smov.u32 s11;
	s11 =	sadd.s32 $0x200, s11;
	v1 =	vmul.f32 v2, v1  }
0x40: {  	_ = 	snop  }
0x41: {  	[tilespmem:v0+s0+$0x0 ss:$0x1] =	vst.idx.msk $0xffff, v1;
	s0 =	sshra.s32 s12, $0x2  }
0x42: {  	v1 =	vld [tilespmem:s0+$0x0]  }
0x43: {  	v2 =	vld [tilespmem:s0+$0x4020];
	_ =	sdelay $0x4  }
.Ltmp0:
0x44: {  	v1 =	vmul.f32 v2, v1;
	(pc) =	sbr.rel @p1 .LBB2_3-.Ltmp0, $4  }
0x45: {  	_ = 	snop  }
0x46: {  	[tilespmem:v0+s0+$0xFFFFFFF0 ss:$0x1] =	vst.idx.msk $0xffff, v1  }
0x47: {  	v1 =	vld [tilespmem:s0+$0x10]  }
0x48: {  	v2 =	vld [tilespmem:s0+$0x4030]  }
0x49: {  	_ =	sdelay $0x3  }
0x4a: {  	p1 =	sne.s32 s28, s26;
	v1 =	vmul.f32 v2, v1  }
0x4b: {  	p0 =	por p0, p1  }
0x4c: {  	p1 =	seq.s32 s25, $0x0;
	[tilespmem:v0+s0+$0x0 ss:$0x1] =	vst.idx.msk $0xffff, v1;
	s0 =	sshll.u32 @p0 s3, $0xB  }
0x4d: {  	s11 =	simm.s32 @p0 $0x0;
	_ =	strace $0x9000005B;
	s0 =	sand.u32 @p0 $0x1FFFF800, s0  }
0x4e: {  	s3 =	sadd.s32 @p0 $0x7, s31;
	_ =	strace @p0 $0x8000005C;
	s0 =	sadd.s32 @p0 s6, s0  }
0x4f: {  	[hbm4b:s0+s11] =	stream.linear.scatter @p0 [tilespmem:s29], [sflag:s3], $0x4000, $0x200038;
	[tilespmem:$0x10200] =	vst v63  }
0x50: {  	s0 =	sand.u32 @!p1 $0x1, s19;
	_ =	strace @p0 $0x9000005C  }
0x51: {  	s0 =	sadd.s32 @!p1 $0x7, s0;
	_ =	strace @!p1 $0x8000005D  }
0x52: {  	s3 =	simm.s32 $0x1;
	_ =	swait.ge @!p1 [sflag:s0], $0x4000  }
0x53: {  	s3 =	simm.s32 @!p0 $0x0;
	p0 =	sne.s32 s25, $0x0;
	[sflag:s0] =	ssyncset.done @!p1 $0x0  }
0x54: {  	s25 =	sadd.s32 $0x1, s25;
	[sflag:s0] =	ssyncadd.s32 @!p1 $0xFFFFC000;
	s0 =	simm.s32 $0x1  }
0x55: {  	s0 =	simm.s32 @!p0 $0x0;
	p0 =	sne.s32 s25, $0x4  }
.Ltmp1:
0x56: {  	_ = 	snop;
	(pc) =	sbr.rel @p0 .LBB2_2-.Ltmp1, $4  }
0x57: {  	_ = 	snop  }
0x58: {  	s22 =	sadd.s32 s22, s30  }
0x59: {  	s28 =	smov.u32 s26;
	s20 =	sadd.s32 s3, s20;
	s23 =	sadd.s32 s3, s23  }
0x5a: {  	s21 =	sadd.s32 s3, s21;
	_ =	strace @!p1 $0x9000005D;
	s19 =	sadd.s32 s0, s19  }
0x5b: {  	s18 =	sadd.s32 $0x1, s18  }
0x5c: {  	p0 =	sne.s32 s18, s10  }
.Ltmp2:
0x5d: {  	_ =	strace $0x8000005E;
	(pc) =	sbr.rel @p0 .LBB2_1-.Ltmp2, $4  }
0x5e: {  	_ =	swait.ge [sflag:s17], $0x4000  }
0x5f: {  	[sflag:s17] =	ssyncset.done $0x0  }
0x60: {  	[sflag:s17] =	ssyncadd.s32 $0xFFFFC000  }
0x61: {  	_ =	strace $0x9000005E  }
0x62: {  	_ =	sfence.sel $0x180000  }
0x63: {  	[bflag:$0x0] =	sbarrier.arrive $0xFFFF  }
0x64: {  	_ =	strace $0x90000055  }
0x65: {  	s0 =	stileid.u32;
	[bflag:$0x2] =	sbarrier.arrive $0xFFFF  }
0x66: {  	p0 =	sne.s32 s0, $0x0;
	s0 =	rddreg [dreg:$0x2]  }
0x67: {  	s0 =	sadd.s32 @!p0 $0x100000, s0  }
0x68: {  	[sflag:s0] =	ssyncadd.tile.s32 @!p0 $0x1;
	_ =	shalt  }
.Lfunc_end2:
_tile_overlayer_lowered:
.L_overlay_start_2:
0x69: {  	(tag) =	ssettag $0x2  }
0x6a: {  	s0 =	rddreg [dreg:$0x0];
	s2 =	stileid.u32  }
0x6b: {  	s1 =	rddreg [dreg:$0x1];
	p0 =	sne.s32 s2, $0x0  }
0x6c: {  	s3 =	rddreg [dreg:$0x2];
	[bflag:$0x3] =	sbarrier.arrive $0xFFFF;
	s2 =	simm.s32 @!p0 $0x1C03  }
0x6d: {  	[timem:s3], [sflag:s2] =	dma.local @!p0 [hbm:s0], s1  }
0x6e: {  	s0 =	simm.s32 @!p0 $0x3  }
0x6f: {  	_ =	swait.ge @!p0 [sflag:s0], s1  }
0x70: {  	s1 =	ssub.s32 @!p0 $0x0, s1;
	[sflag:s0] =	ssyncset.done @!p0 $0x0  }
0x71: {  	[sflag:s0] =	ssyncadd.s32 @!p0 s1  }
0x72: {  	[bflag:$0x3] =	sbarrier.arrive $0xFFFF  }
0x73: {  	_ =	shalt  }

</sc_bundles>
